<compile_context>
chip_gen: v7x
topology: tpu7x:2x2x1
jax: 0.10.2.dev20260603
libtpu: 0.0.44.dev20260713+nightly
codegen_flags: <defaults>
</compile_context>

<pallas_src>
import functools

import jax
import jax.numpy as jnp
from jax import lax
from jax.experimental import pallas as pl
from jax.experimental.pallas import tpu as pltpu
from jax.experimental.pallas import tpu_sc as plsc

N = 10000
E = 320000
D = 128
K = 80
NSUB = 16
NCORE = 2
RPS = 632


def _row_slice(s):
    return pl.ds(jnp.minimum(s * RPS, N - RPS), RPS)


CPW = (E // K) // 32
_BLOCKS = (63, 62)
IB = max(_BLOCKS)

_MESH = plsc.VectorSubcoreMesh(
    core_axis_name="c", subcore_axis_name="s",
    num_cores=NCORE, num_subcores=NSUB)


DEG_B = 2560


def _tc_degrees(ei):

    def body(ei_ref, osrc_ref, odst_ref):
        iota_col = lax.broadcasted_iota(jnp.int32, (128, 1), 0)

        def onehots(idx_row):
            hi = (idx_row >> 7) == iota_col
            lo = (idx_row & 127) == iota_col
            return hi.astype(jnp.bfloat16), lo.astype(jnp.bfloat16)

        dn = (((1,), (1,)), ((), ()))

        def step(i, carry):
            asrc, adst = carry
            sh, sl = onehots(ei_ref[0:1, pl.ds(i * DEG_B, DEG_B)])
            dh, dl = onehots(ei_ref[1:2, pl.ds(i * DEG_B, DEG_B)])
            asrc = asrc + lax.dot_general(
                sh, sl, dn, preferred_element_type=jnp.float32)
            adst = adst + lax.dot_general(
                dh, dl, dn, preferred_element_type=jnp.float32)
            return asrc, adst

        zero = jnp.zeros((128, 128), jnp.float32)
        asrc, adst = lax.fori_loop(0, E // DEG_B, step, (zero, zero))
        osrc_ref[...] = asrc
        odst_ref[...] = adst

    return pl.pallas_call(
        body,
        out_shape=[jax.ShapeDtypeStruct((128, 128), jnp.float32),
                   jax.ShapeDtypeStruct((128, 128), jnp.float32)],
    )(ei)


@functools.partial(
    pl.kernel,
    out_type=jax.ShapeDtypeStruct((NCORE, N, D), jnp.float32),
    mesh=_MESH,
    scratch_types=[
        pltpu.VMEM((IB, 2, K), jnp.int32),
        pltpu.VMEM((K, D), jnp.float32),
        pltpu.VMEM((K, D), jnp.float32),
        pltpu.VMEM((K, D), jnp.float32),
        pltpu.VMEM_SHARED((N, D), jnp.float32),
        pltpu.SemaphoreType.DMA,
        pltpu.SemaphoreType.DMA,
        pltpu.SemaphoreType.DMA,
        pltpu.SemaphoreType.DMA,
        pltpu.SemaphoreType.DMA,
        pltpu.SemaphoreType.DMA,
    ],
)
def _sc_aggregate(h_hbm, ep_hbm, zeros_hbm, out_hbm,
                  idx_v, r0, r1, r2, acc, g0, g1, g2, s0, s1, s2):
    c = lax.axis_index("c")
    s = lax.axis_index("s")
    wid = s * NCORE + c
    base = wid * CPW
    pltpu.sync_copy(zeros_hbm.at[_row_slice(s)], acc.at[_row_slice(s)])
    plsc.subcore_barrier()

    rs = (r0, r1, r2)
    gs = (g0, g1, g2)
    ss = (s0, s1, s2)

    def _gather(i, b):
        return pltpu.async_copy(h_hbm.at[idx_v.at[i, 0]], rs[b], gs[b])

    def _gwait(i, b):
        pltpu.make_async_copy(h_hbm.at[idx_v.at[i, 0]], rs[b], gs[b]).wait()

    def _scat(i, b):
        return pltpu.async_copy(rs[b], acc.at[idx_v.at[i, 1]], ss[b],
                                add=True)

    def _swait(i, b):
        pltpu.make_async_copy(rs[b], acc.at[idx_v.at[i, 1]], ss[b]).wait()

    off = 0
    for sz in _BLOCKS:
        pltpu.sync_copy(ep_hbm.at[pl.ds(base + off, sz)],
                        idx_v.at[pl.ds(0, sz)])
        for b in range(3):
            _gather(b, b)

        @pl.loop(0, sz, step=3)
        def _(i):
            for b in range(3):
                @pl.when(i + b < sz)
                def _(b=b):
                    _gwait(i + b, b)
                    _scat(i + b, b)
            for b in range(3):
                @pl.when(i + b + 3 < sz)
                def _(b=b):
                    _swait(i + b, b)
                    _gather(i + b + 3, b)

        for j in (sz - 3, sz - 2, sz - 1):
            _swait(j, j % 3)
        off += sz

    plsc.subcore_barrier()
    pltpu.sync_copy(acc.at[_row_slice(s)], out_hbm.at[c, _row_slice(s)])


def _norm(deg_ref):
    return lax.rsqrt(jnp.clip(deg_ref[...], 1.0, None))


def _tc_layer1(features, W1, dsrc):
    def body(x_ref, w_ref, dsrc_ref, o_ref):
        ns = _norm(dsrc_ref)
        o_ref[...] = jnp.dot(x_ref[...] * ns, w_ref[...])

    return pl.pallas_call(
        body, out_shape=jax.ShapeDtypeStruct((N, D), jnp.float32),
    )(features, W1, dsrc)


def _tc_mid(p, dsrc, ddst, b, W):
    def body(p_ref, dsrc_ref, ddst_ref, b_ref, w_ref, o_ref):
        ns = _norm(dsrc_ref)
        nd = _norm(ddst_ref)
        h = jnp.maximum((p_ref[0] + p_ref[1]) * nd + b_ref[...], 0.0)
        o_ref[...] = jnp.dot(h * ns, w_ref[...])

    return pl.pallas_call(
        body, out_shape=jax.ShapeDtypeStruct((N, D), jnp.float32),
    )(p, dsrc, ddst, b, W)


def _tc_head(p, ddst, b, fc_W, shift):
    def body(p_ref, ddst_ref, b_ref, w_ref, shift_ref, o_ref):
        nd = _norm(ddst_ref)
        h = jnp.maximum((p_ref[0] + p_ref[1]) * nd + b_ref[...], 0.0)
        o_ref[...] = jnp.dot(h, w_ref[...]) + shift_ref[...]

    return pl.pallas_call(
        body, out_shape=jax.ShapeDtypeStruct((N, 1), jnp.float32),
    )(p, ddst, b, fc_W, shift)


def kernel(features, edge_index, W1, b1, W2, b2, fc_W, fc_b, cl_thres):
    ei = edge_index.astype(jnp.int32)
    epairs = jnp.stack(
        [ei[0].reshape(E // K, K), ei[1].reshape(E // K, K)], axis=1)
    zeros128 = jnp.zeros((N, D), jnp.float32)

    s2d, d2d = _tc_degrees(ei)
    dsrc = s2d.reshape(-1)[:N, None]
    ddst = d2d.reshape(-1)[:N, None]
    h1t = _tc_layer1(features, W1, dsrc)
    p1 = _sc_aggregate(h1t, epairs, zeros128)
    h2t = _tc_mid(p1, dsrc, ddst, b1, W2)
    p2 = _sc_aggregate(h2t, epairs, zeros128)
    shift = fc_b - cl_thres
    return _tc_head(p2, ddst, b2, fc_W, shift)

# --- scband reference (transcript-rebuilt; emitter-appended) ---
"""Pipeline reference for scband-gcnclassifier-41497974014275 (READ-ONLY COPY).

The authoritative reference and input builder live on the scoring server;
editing this copy changes nothing except your own understanding.
"""

import jax, jax.numpy as jnp
import numpy as np

N_NODES = 10000
N_EDGES = 320000
IN_DIM = 128
HIDDEN_DIM = 128


def setup_inputs(seed: int = 0) -> dict:
    key = jax.random.key(seed)
    ks = jax.random.split(key, 10)
    features = jax.random.normal(ks[0], (N_NODES, IN_DIM), dtype=jnp.float32)
    edge_index = jax.random.randint(ks[1], (2, N_EDGES), 0, N_NODES, dtype=jnp.int64)
    # GraphConv layer 1 params (Glorot init like DGL)
    s1 = (6.0 / (IN_DIM + HIDDEN_DIM)) ** 0.5
    W1 = jax.random.uniform(ks[2], (IN_DIM, HIDDEN_DIM), minval=-s1, maxval=s1, dtype=jnp.float32)
    b1 = jnp.zeros((HIDDEN_DIM,), dtype=jnp.float32)
    s2 = (6.0 / (HIDDEN_DIM + HIDDEN_DIM)) ** 0.5
    W2 = jax.random.uniform(ks[3], (HIDDEN_DIM, HIDDEN_DIM), minval=-s2, maxval=s2, dtype=jnp.float32)
    b2 = jnp.zeros((HIDDEN_DIM,), dtype=jnp.float32)
    sf = (1.0 / HIDDEN_DIM) ** 0.5
    fc_W = jax.random.uniform(ks[4], (HIDDEN_DIM, 1), minval=-sf, maxval=sf, dtype=jnp.float32)
    fc_b = jax.random.uniform(ks[5], (1,), minval=-sf, maxval=sf, dtype=jnp.float32)
    cl_thres = jnp.asarray(0.5, dtype=jnp.float32)
    return {
        "features": features,
        "edge_index": edge_index,
        "W1": W1, "b1": b1,
        "W2": W2, "b2": b2,
        "fc_W": fc_W, "fc_b": fc_b,
        "cl_thres": cl_thres,
    }


def _graph_conv(x, src, dst, W, b, n_nodes):
    # DGL GraphConv with norm='both': symmetric degree normalization.
    ones = jnp.ones((src.shape[0],), dtype=x.dtype)
    deg_out = jax.ops.segment_sum(ones, src, num_segments=n_nodes)
    deg_in = jax.ops.segment_sum(ones, dst, num_segments=n_nodes)
    norm_src = jax.lax.rsqrt(jnp.clip(deg_out, 1.0, None))
    norm_dst = jax.lax.rsqrt(jnp.clip(deg_in, 1.0, None))
    h = x * norm_src[:, None]
    h = h @ W  # apply weight before aggregation (math-equivalent)
    msgs = jnp.take(h, src, axis=0)                       # gather
    agg = jax.ops.segment_sum(msgs, dst, num_segments=n_nodes)  # scatter-add
    out = agg * norm_dst[:, None] + b
    return jax.nn.relu(out)


def reference(features, edge_index, W1, b1, W2, b2, fc_W, fc_b, cl_thres):
    src = edge_index[0]
    dst = edge_index[1]
    n_nodes = features.shape[0]
    h = _graph_conv(features, src, dst, W1, b1, n_nodes)
    h = _graph_conv(h, src, dst, W2, b2, n_nodes)
    # dropout is identity in eval mode
    logits_raw = h @ fc_W + fc_b
    shifted_logit = logits_raw - cl_thres
    return shifted_logit

if __name__ == "__main__":
    import jax
    _d = setup_inputs()
    print(jax.jit(kernel)(*tuple(_d.values())))

</pallas_src>

<mosaic_0001>
#map = affine_map<(d0, d1) -> (0, 0)>
#map1 = affine_map<(d0, d1) -> (0, 0, 0)>
module attributes {stable_mosaic.version = 14 : i64} {
  func.func @_sc_aggregate(%arg0: i32, %arg1: i32, %arg2: memref<10000x128xf32, #tpu.memory_space<hbm>>, %arg3: memref<4000x2x80xi32, #tpu.memory_space<hbm>>, %arg4: memref<10000x128xf32, #tpu.memory_space<hbm>>, %arg5: memref<2x10000x128xf32, #tpu.memory_space<hbm>>, %arg6: memref<63x2x80xi32, #tpu.memory_space<vmem>>, %arg7: memref<80x128xf32, #tpu.memory_space<vmem>>, %arg8: memref<80x128xf32, #tpu.memory_space<vmem>>, %arg9: memref<80x128xf32, #tpu.memory_space<vmem>>, %arg10: memref<10000x128xf32, #tpu.memory_space<vmem_shared>>, %arg11: memref<!tpu.dma_semaphore, #tpu.memory_space<semaphore_mem>>, %arg12: memref<!tpu.dma_semaphore, #tpu.memory_space<semaphore_mem>>, %arg13: memref<!tpu.dma_semaphore, #tpu.memory_space<semaphore_mem>>, %arg14: memref<!tpu.dma_semaphore, #tpu.memory_space<semaphore_mem>>, %arg15: memref<!tpu.dma_semaphore, #tpu.memory_space<semaphore_mem>>, %arg16: memref<!tpu.dma_semaphore, #tpu.memory_space<semaphore_mem>>) attributes {dimension_semantics = [#tpu.dimension_semantics<core_parallel>, #tpu.dimension_semantics<subcore_parallel>], iteration_bounds = array<i64: 2, 16>, scalar_prefetch = 0 : i64, scratch_operands = 11 : i64, tpu.core_type = #tpu.core_type<sc_vector_subcore>, window_params = [{transform_indices = #map}, {transform_indices = #map1}, {transform_indices = #map}, {transform_indices = #map1}]} {
    %mul3A = arith.constant 2 : i32
    %mul3A_0 = arith.muli %arg1, %mul3A : i32
    %add3A = arith.addi %mul3A_0, %arg0 : i32
    %mul3A_1 = arith.constant 125 : i32
    %mul3A_2 = arith.muli %add3A, %mul3A_1 : i32
    %mul3A_3 = arith.constant 632 : i32
    %mul3A_4 = arith.muli %arg1, %mul3A_3 : i32
    %min3A = arith.constant 9368 : i32
    %min3A_5 = arith.minsi %mul3A_4, %min3A : i32
    %mul3A_6 = arith.constant 632 : i32
    %mul3A_7 = arith.muli %arg1, %mul3A_6 : i32
    %min3A_8 = arith.constant 9368 : i32
    %min3A_9 = arith.minsi %mul3A_7, %min3A_8 : i32
    "tpu.region"() ({
      %run_scoped3A = tpu.sem_alloc : memref<!tpu.dma_semaphore, #tpu.memory_space<semaphore_mem>>
      %dma_start3A_126 = arith.constant 0 : i32
      %dma_start3A_127 = tpu.memref_slice %arg10[%min3A_9, %dma_start3A_126] : memref<10000x128xf32, #tpu.memory_space<vmem_shared>> -> memref<632x128xf32, #tpu.memory_space<vmem_shared>>
      %dma_start3A_128 = arith.constant 0 : i32
      %dma_start3A_129 = tpu.memref_slice %arg4[%min3A_5, %dma_start3A_128] : memref<10000x128xf32, #tpu.memory_space<hbm>> -> memref<632x128xf32, #tpu.memory_space<hbm>>
      tpu.enqueue_dma source(%dma_start3A_129 : memref<632x128xf32, #tpu.memory_space<hbm>>) target(%dma_start3A_127 : memref<632x128xf32, #tpu.memory_space<vmem_shared>>) target_semaphore(%run_scoped3A : memref<!tpu.dma_semaphore, #tpu.memory_space<semaphore_mem>>)
      %dma_wait3A_130 = arith.constant 0 : i32
      %dma_wait3A_131 = tpu.memref_slice %arg10[%min3A_9, %dma_wait3A_130] : memref<10000x128xf32, #tpu.memory_space<vmem_shared>> -> memref<632x128xf32, #tpu.memory_space<vmem_shared>>
      %dma_wait3A_132 = arith.constant 0 : i32
      %dma_wait3A_133 = tpu.memref_slice %arg4[%min3A_5, %dma_wait3A_132] : memref<10000x128xf32, #tpu.memory_space<hbm>> -> memref<632x128xf32, #tpu.memory_space<hbm>>
      tpu.wait_dma2 semaphore(%run_scoped3A : memref<!tpu.dma_semaphore, #tpu.memory_space<semaphore_mem>>) src(%dma_wait3A_133 : memref<632x128xf32, #tpu.memory_space<hbm>>) dst(%dma_wait3A_131 : memref<632x128xf32, #tpu.memory_space<vmem_shared>>)
      tpu.yield
    }) : () -> ()
    %barrier3A = arith.constant 0 : index
    tpu.barrier barrier_id(%barrier3A)
    %add3A_10 = arith.constant 0 : i32
    %add3A_11 = arith.addi %mul3A_2, %add3A_10 : i32
    "tpu.region"() ({
      %run_scoped3A = tpu.sem_alloc : memref<!tpu.dma_semaphore, #tpu.memory_space<semaphore_mem>>
      %dma_start3A_126 = arith.constant 0 : i32
      %dma_start3A_127 = arith.constant 0 : i32
      %dma_start3A_128 = arith.constant 0 : i32
      %dma_start3A_129 = tpu.memref_slice %arg6[%dma_start3A_126, %dma_start3A_127, %dma_start3A_128] : memref<63x2x80xi32, #tpu.memory_space<vmem>> -> memref<63x2x80xi32, #tpu.memory_space<vmem>>
      %dma_start3A_130 = arith.constant 0 : i32
      %dma_start3A_131 = arith.constant 0 : i32
      %dma_start3A_132 = tpu.memref_slice %arg3[%add3A_11, %dma_start3A_130, %dma_start3A_131] : memref<4000x2x80xi32, #tpu.memory_space<hbm>> -> memref<63x2x80xi32, #tpu.memory_space<hbm>>
      %dma_start3A_133 = arith.constant 0 : i32
      %dma_start3A_134 = arith.constant 0 : i32
      %dma_start3A_135 = arith.constant 0 : i32
      %dma_start3A_136 = tpu.memref_slice %arg6[%dma_start3A_133, %dma_start3A_134, %dma_start3A_135] : memref<63x2x80xi32, #tpu.memory_space<vmem>> -> memref<63x2x80xi32, #tpu.memory_space<vmem>>
      %dma_start3A_137 = arith.constant 0 : i32
      %dma_start3A_138 = arith.constant 0 : i32
      %dma_start3A_139 = tpu.memref_slice %arg3[%add3A_11, %dma_start3A_137, %dma_start3A_138] : memref<4000x2x80xi32, #tpu.memory_space<hbm>> -> memref<63x2x80xi32, #tpu.memory_space<hbm>>
      tpu.enqueue_dma source(%dma_start3A_139 : memref<63x2x80xi32, #tpu.memory_space<hbm>>) target(%dma_start3A_136 : memref<63x2x80xi32, #tpu.memory_space<vmem>>) target_semaphore(%run_scoped3A : memref<!tpu.dma_semaphore, #tpu.memory_space<semaphore_mem>>)
      %dma_wait3A_140 = arith.constant 0 : i32
      %dma_wait3A_141 = arith.constant 0 : i32
      %dma_wait3A_142 = arith.constant 0 : i32
      %dma_wait3A_143 = tpu.memref_slice %arg6[%dma_wait3A_140, %dma_wait3A_141, %dma_wait3A_142] : memref<63x2x80xi32, #tpu.memory_space<vmem>> -> memref<63x2x80xi32, #tpu.memory_space<vmem>>
      %dma_wait3A_144 = arith.constant 0 : i32
      %dma_wait3A_145 = arith.constant 0 : i32
      %dma_wait3A_146 = tpu.memref_slice %arg3[%add3A_11, %dma_wait3A_144, %dma_wait3A_145] : memref<4000x2x80xi32, #tpu.memory_space<hbm>> -> memref<63x2x80xi32, #tpu.memory_space<hbm>>
      %dma_wait3A_147 = arith.constant 0 : i32
      %dma_wait3A_148 = arith.constant 0 : i32
      %dma_wait3A_149 = arith.constant 0 : i32
      %dma_wait3A_150 = tpu.memref_slice %arg6[%dma_wait3A_147, %dma_wait3A_148, %dma_wait3A_149] : memref<63x2x80xi32, #tpu.memory_space<vmem>> -> memref<63x2x80xi32, #tpu.memory_space<vmem>>
      %dma_wait3A_151 = arith.constant 0 : i32
      %dma_wait3A_152 = arith.constant 0 : i32
      %dma_wait3A_153 = tpu.memref_slice %arg3[%add3A_11, %dma_wait3A_151, %dma_wait3A_152] : memref<4000x2x80xi32, #tpu.memory_space<hbm>> -> memref<63x2x80xi32, #tpu.memory_space<hbm>>
      tpu.wait_dma2 semaphore(%run_scoped3A : memref<!tpu.dma_semaphore, #tpu.memory_space<semaphore_mem>>) src(%dma_wait3A_153 : memref<63x2x80xi32, #tpu.memory_space<hbm>>) dst(%dma_wait3A_150 : memref<63x2x80xi32, #tpu.memory_space<vmem>>)
      tpu.yield
    }) : () -> ()
    %dma_start3A = arith.constant 0 : i32
    %dma_start3A_12 = arith.constant 0 : i32
    %dma_start3A_13 = arith.constant 0 : i32
    %dma_start3A_14 = tpu.memref_slice %arg6[%dma_start3A, %dma_start3A_12, %dma_start3A_13] : memref<63x2x80xi32, #tpu.memory_space<vmem>> -> memref<1x1x80xi32, #tpu.memory_space<vmem>>
    %dma_start3A_15 = tpu.memref_squeeze %dma_start3A_14 : memref<1x1x80xi32, #tpu.memory_space<vmem>> -> memref<80xi32, #tpu.memory_space<vmem>>
    %dma_start3A_16 = arith.constant 0 : i32
    %dma_start3A_17 = arith.constant 0 : i32
    %dma_start3A_18 = tpu.memref_slice %arg2[%dma_start3A_16, %dma_start3A_17] : memref<10000x128xf32, #tpu.memory_space<hbm>> -> memref<10000x128xf32, #tpu.memory_space<hbm>>
    tpu.enqueue_indirect_dma source(%dma_start3A_18 : memref<10000x128xf32, #tpu.memory_space<hbm>>) target(%arg7 : memref<80x128xf32, #tpu.memory_space<vmem>>) offsets(%dma_start3A_15 : memref<80xi32, #tpu.memory_space<vmem>>) semaphore(%arg11 : memref<!tpu.dma_semaphore, #tpu.memory_space<semaphore_mem>>)
    %dma_start3A_19 = arith.constant 1 : i32
    %dma_start3A_20 = arith.constant 0 : i32
    %dma_start3A_21 = arith.constant 0 : i32
    %dma_start3A_22 = tpu.memref_slice %arg6[%dma_start3A_19, %dma_start3A_20, %dma_start3A_21] : memref<63x2x80xi32, #tpu.memory_space<vmem>> -> memref<1x1x80xi32, #tpu.memory_space<vmem>>
    %dma_start3A_23 = tpu.memref_squeeze %dma_start3A_22 : memref<1x1x80xi32, #tpu.memory_space<vmem>> -> memref<80xi32, #tpu.memory_space<vmem>>
    %dma_start3A_24 = arith.constant 0 : i32
    %dma_start3A_25 = arith.constant 0 : i32
    %dma_start3A_26 = tpu.memref_slice %arg2[%dma_start3A_24, %dma_start3A_25] : memref<10000x128xf32, #tpu.memory_space<hbm>> -> memref<10000x128xf32, #tpu.memory_space<hbm>>
    tpu.enqueue_indirect_dma source(%dma_start3A_26 : memref<10000x128xf32, #tpu.memory_space<hbm>>) target(%arg8 : memref<80x128xf32, #tpu.memory_space<vmem>>) offsets(%dma_start3A_23 : memref<80xi32, #tpu.memory_space<vmem>>) semaphore(%arg12 : memref<!tpu.dma_semaphore, #tpu.memory_space<semaphore_mem>>)
    %dma_start3A_27 = arith.constant 2 : i32
    %dma_start3A_28 = arith.constant 0 : i32
    %dma_start3A_29 = arith.constant 0 : i32
    %dma_start3A_30 = tpu.memref_slice %arg6[%dma_start3A_27, %dma_start3A_28, %dma_start3A_29] : memref<63x2x80xi32, #tpu.memory_space<vmem>> -> memref<1x1x80xi32, #tpu.memory_space<vmem>>
    %dma_start3A_31 = tpu.memref_squeeze %dma_start3A_30 : memref<1x1x80xi32, #tpu.memory_space<vmem>> -> memref<80xi32, #tpu.memory_space<vmem>>
    %dma_start3A_32 = arith.constant 0 : i32
    %dma_start3A_33 = arith.constant 0 : i32
    %dma_start3A_34 = tpu.memref_slice %arg2[%dma_start3A_32, %dma_start3A_33] : memref<10000x128xf32, #tpu.memory_space<hbm>> -> memref<10000x128xf32, #tpu.memory_space<hbm>>
    tpu.enqueue_indirect_dma source(%dma_start3A_34 : memref<10000x128xf32, #tpu.memory_space<hbm>>) target(%arg9 : memref<80x128xf32, #tpu.memory_space<vmem>>) offsets(%dma_start3A_31 : memref<80xi32, #tpu.memory_space<vmem>>) semaphore(%arg13 : memref<!tpu.dma_semaphore, #tpu.memory_space<semaphore_mem>>)
    %scan3A = arith.constant 0 : i32
    %scan3A_35 = arith.constant 21 : i32
    %scan3A_36 = arith.addi %scan3A, %scan3A_35 : i32
    %scan3A_37 = arith.constant 1 : i32
    scf.for %scan3A_126 = %scan3A to %scan3A_36 step %scan3A_37  : i32 {
      %mul3A_127 = arith.constant 3 : i32
      %mul3A_128 = arith.muli %scan3A_126, %mul3A_127 : i32
      %add3A_129 = arith.constant 0 : i32
      %add3A_130 = arith.addi %add3A_129, %mul3A_128 : i32
      %add3A_131 = arith.constant 0 : i32
      %add3A_132 = arith.addi %add3A_130, %add3A_131 : i32
      %lt3A = arith.constant 63 : i32
      %lt3A_133 = arith.cmpi slt, %add3A_132, %lt3A : i32
      %convert_element_type3A = arith.extui %lt3A_133 : i1 to i32
      %cond3A = arith.constant 0 : i32
      %cond3A_134 = arith.cmpi ne, %convert_element_type3A, %cond3A : i32
      scf.if %cond3A_134 {
        %add3A_176 = arith.constant 0 : i32
        %add3A_177 = arith.addi %add3A_130, %add3A_176 : i32
        %dma_wait3A_178 = arith.constant 0 : i32
        %dma_wait3A_179 = arith.constant 0 : i32
        %dma_wait3A_180 = tpu.memref_slice %arg6[%add3A_177, %dma_wait3A_178, %dma_wait3A_179] : memref<63x2x80xi32, #tpu.memory_space<vmem>> -> memref<1x1x80xi32, #tpu.memory_space<vmem>>
        %dma_wait3A_181 = tpu.memref_squeeze %dma_wait3A_180 : memref<1x1x80xi32, #tpu.memory_space<vmem>> -> memref<80xi32, #tpu.memory_space<vmem>>
        %dma_wait3A_182 = arith.constant 0 : i32
        %dma_wait3A_183 = arith.constant 0 : i32
        %dma_wait3A_184 = tpu.memref_slice %arg2[%dma_wait3A_182, %dma_wait3A_183] : memref<10000x128xf32, #tpu.memory_space<hbm>> -> memref<10000x128xf32, #tpu.memory_space<hbm>>
        tpu.wait_indirect_dma semaphore(%arg11 : memref<!tpu.dma_semaphore, #tpu.memory_space<semaphore_mem>>) src(%dma_wait3A_184 : memref<10000x128xf32, #tpu.memory_space<hbm>>) dst(%arg7 : memref<80x128xf32, #tpu.memory_space<vmem>>)
        %add3A_185 = arith.constant 0 : i32
        %add3A_186 = arith.addi %add3A_130, %add3A_185 : i32
        %dma_start3A_187 = arith.constant 1 : i32
        %dma_start3A_188 = arith.constant 0 : i32
        %dma_start3A_189 = tpu.memref_slice %arg6[%add3A_186, %dma_start3A_187, %dma_start3A_188] : memref<63x2x80xi32, #tpu.memory_space<vmem>> -> memref<1x1x80xi32, #tpu.memory_space<vmem>>
        %dma_start3A_190 = tpu.memref_squeeze %dma_start3A_189 : memref<1x1x80xi32, #tpu.memory_space<vmem>> -> memref<80xi32, #tpu.memory_space<vmem>>
        %dma_start3A_191 = arith.constant 0 : i32
        %dma_start3A_192 = arith.constant 0 : i32
        %dma_start3A_193 = tpu.memref_slice %arg10[%dma_start3A_191, %dma_start3A_192] : memref<10000x128xf32, #tpu.memory_space<vmem_shared>> -> memref<10000x128xf32, #tpu.memory_space<vmem_shared>>
        tpu.enqueue_indirect_dma source(%arg7 : memref<80x128xf32, #tpu.memory_space<vmem>>) target(%dma_start3A_193 : memref<10000x128xf32, #tpu.memory_space<vmem_shared>>) offsets(%dma_start3A_190 : memref<80xi32, #tpu.memory_space<vmem>>) semaphore(%arg14 : memref<!tpu.dma_semaphore, #tpu.memory_space<semaphore_mem>>) {add = true}
      } else {
      }
      %add3A_135 = arith.constant 1 : i32
      %add3A_136 = arith.addi %add3A_130, %add3A_135 : i32
      %lt3A_137 = arith.constant 63 : i32
      %lt3A_138 = arith.cmpi slt, %add3A_136, %lt3A_137 : i32
      %convert_element_type3A_139 = arith.extui %lt3A_138 : i1 to i32
      %cond3A_140 = arith.constant 0 : i32
      %cond3A_141 = arith.cmpi ne, %convert_element_type3A_139, %cond3A_140 : i32
      scf.if %cond3A_141 {
        %add3A_176 = arith.constant 1 : i32
        %add3A_177 = arith.addi %add3A_130, %add3A_176 : i32
        %dma_wait3A_178 = arith.constant 0 : i32
        %dma_wait3A_179 = arith.constant 0 : i32
        %dma_wait3A_180 = tpu.memref_slice %arg6[%add3A_177, %dma_wait3A_178, %dma_wait3A_179] : memref<63x2x80xi32, #tpu.memory_space<vmem>> -> memref<1x1x80xi32, #tpu.memory_space<vmem>>
        %dma_wait3A_181 = tpu.memref_squeeze %dma_wait3A_180 : memref<1x1x80xi32, #tpu.memory_space<vmem>> -> memref<80xi32, #tpu.memory_space<vmem>>
        %dma_wait3A_182 = arith.constant 0 : i32
        %dma_wait3A_183 = arith.constant 0 : i32
        %dma_wait3A_184 = tpu.memref_slice %arg2[%dma_wait3A_182, %dma_wait3A_183] : memref<10000x128xf32, #tpu.memory_space<hbm>> -> memref<10000x128xf32, #tpu.memory_space<hbm>>
        tpu.wait_indirect_dma semaphore(%arg12 : memref<!tpu.dma_semaphore, #tpu.memory_space<semaphore_mem>>) src(%dma_wait3A_184 : memref<10000x128xf32, #tpu.memory_space<hbm>>) dst(%arg8 : memref<80x128xf32, #tpu.memory_space<vmem>>)
        %add3A_185 = arith.constant 1 : i32
        %add3A_186 = arith.addi %add3A_130, %add3A_185 : i32
        %dma_start3A_187 = arith.constant 1 : i32
        %dma_start3A_188 = arith.constant 0 : i32
        %dma_start3A_189 = tpu.memref_slice %arg6[%add3A_186, %dma_start3A_187, %dma_start3A_188] : memref<63x2x80xi32, #tpu.memory_space<vmem>> -> memref<1x1x80xi32, #tpu.memory_space<vmem>>
        %dma_start3A_190 = tpu.memref_squeeze %dma_start3A_189 : memref<1x1x80xi32, #tpu.memory_space<vmem>> -> memref<80xi32, #tpu.memory_space<vmem>>
        %dma_start3A_191 = arith.constant 0 : i32
        %dma_start3A_192 = arith.constant 0 : i32
        %dma_start3A_193 = tpu.memref_slice %arg10[%dma_start3A_191, %dma_start3A_192] : memref<10000x128xf32, #tpu.memory_space<vmem_shared>> -> memref<10000x128xf32, #tpu.memory_space<vmem_shared>>
        tpu.enqueue_indirect_dma source(%arg8 : memref<80x128xf32, #tpu.memory_space<vmem>>) target(%dma_start3A_193 : memref<10000x128xf32, #tpu.memory_space<vmem_shared>>) offsets(%dma_start3A_190 : memref<80xi32, #tpu.memory_space<vmem>>) semaphore(%arg15 : memref<!tpu.dma_semaphore, #tpu.memory_space<semaphore_mem>>) {add = true}
      } else {
      }
      %add3A_142 = arith.constant 2 : i32
      %add3A_143 = arith.addi %add3A_130, %add3A_142 : i32
      %lt3A_144 = arith.constant 63 : i32
      %lt3A_145 = arith.cmpi slt, %add3A_143, %lt3A_144 : i32
      %convert_element_type3A_146 = arith.extui %lt3A_145 : i1 to i32
      %cond3A_147 = arith.constant 0 : i32
      %cond3A_148 = arith.cmpi ne, %convert_element_type3A_146, %cond3A_147 : i32
      scf.if %cond3A_148 {
        %add3A_176 = arith.constant 2 : i32
        %add3A_177 = arith.addi %add3A_130, %add3A_176 : i32
        %dma_wait3A_178 = arith.constant 0 : i32
        %dma_wait3A_179 = arith.constant 0 : i32
        %dma_wait3A_180 = tpu.memref_slice %arg6[%add3A_177, %dma_wait3A_178, %dma_wait3A_179] : memref<63x2x80xi32, #tpu.memory_space<vmem>> -> memref<1x1x80xi32, #tpu.memory_space<vmem>>
        %dma_wait3A_181 = tpu.memref_squeeze %dma_wait3A_180 : memref<1x1x80xi32, #tpu.memory_space<vmem>> -> memref<80xi32, #tpu.memory_space<vmem>>
        %dma_wait3A_182 = arith.constant 0 : i32
        %dma_wait3A_183 = arith.constant 0 : i32
        %dma_wait3A_184 = tpu.memref_slice %arg2[%dma_wait3A_182, %dma_wait3A_183] : memref<10000x128xf32, #tpu.memory_space<hbm>> -> memref<10000x128xf32, #tpu.memory_space<hbm>>
        tpu.wait_indirect_dma semaphore(%arg13 : memref<!tpu.dma_semaphore, #tpu.memory_space<semaphore_mem>>) src(%dma_wait3A_184 : memref<10000x128xf32, #tpu.memory_space<hbm>>) dst(%arg9 : memref<80x128xf32, #tpu.memory_space<vmem>>)
        %add3A_185 = arith.constant 2 : i32
        %add3A_186 = arith.addi %add3A_130, %add3A_185 : i32
        %dma_start3A_187 = arith.constant 1 : i32
        %dma_start3A_188 = arith.constant 0 : i32
        %dma_start3A_189 = tpu.memref_slice %arg6[%add3A_186, %dma_start3A_187, %dma_start3A_188] : memref<63x2x80xi32, #tpu.memory_space<vmem>> -> memref<1x1x80xi32, #tpu.memory_space<vmem>>
        %dma_start3A_190 = tpu.memref_squeeze %dma_start3A_189 : memref<1x1x80xi32, #tpu.memory_space<vmem>> -> memref<80xi32, #tpu.memory_space<vmem>>
        %dma_start3A_191 = arith.constant 0 : i32
        %dma_start3A_192 = arith.constant 0 : i32
        %dma_start3A_193 = tpu.memref_slice %arg10[%dma_start3A_191, %dma_start3A_192] : memref<10000x128xf32, #tpu.memory_space<vmem_shared>> -> memref<10000x128xf32, #tpu.memory_space<vmem_shared>>
        tpu.enqueue_indirect_dma source(%arg9 : memref<80x128xf32, #tpu.memory_space<vmem>>) target(%dma_start3A_193 : memref<10000x128xf32, #tpu.memory_space<vmem_shared>>) offsets(%dma_start3A_190 : memref<80xi32, #tpu.memory_space<vmem>>) semaphore(%arg16 : memref<!tpu.dma_semaphore, #tpu.memory_space<semaphore_mem>>) {add = true}
      } else {
      }
      %add3A_149 = arith.constant 0 : i32
      %add3A_150 = arith.addi %add3A_130, %add3A_149 : i32
      %add3A_151 = arith.constant 3 : i32
      %add3A_152 = arith.addi %add3A_150, %add3A_151 : i32
      %lt3A_153 = arith.constant 63 : i32
      %lt3A_154 = arith.cmpi slt, %add3A_152, %lt3A_153 : i32
      %convert_element_type3A_155 = arith.extui %lt3A_154 : i1 to i32
      %cond3A_156 = arith.constant 0 : i32
      %cond3A_157 = arith.cmpi ne, %convert_element_type3A_155, %cond3A_156 : i32
      scf.if %cond3A_157 {
        %add3A_176 = arith.constant 0 : i32
        %add3A_177 = arith.addi %add3A_130, %add3A_176 : i32
        %dma_wait3A_178 = arith.constant 1 : i32
        %dma_wait3A_179 = arith.constant 0 : i32
        %dma_wait3A_180 = tpu.memref_slice %arg6[%add3A_177, %dma_wait3A_178, %dma_wait3A_179] : memref<63x2x80xi32, #tpu.memory_space<vmem>> -> memref<1x1x80xi32, #tpu.memory_space<vmem>>
        %dma_wait3A_181 = tpu.memref_squeeze %dma_wait3A_180 : memref<1x1x80xi32, #tpu.memory_space<vmem>> -> memref<80xi32, #tpu.memory_space<vmem>>
        %dma_wait3A_182 = arith.constant 0 : i32
        %dma_wait3A_183 = arith.constant 0 : i32
        %dma_wait3A_184 = tpu.memref_slice %arg10[%dma_wait3A_182, %dma_wait3A_183] : memref<10000x128xf32, #tpu.memory_space<vmem_shared>> -> memref<10000x128xf32, #tpu.memory_space<vmem_shared>>
        tpu.wait_indirect_dma semaphore(%arg14 : memref<!tpu.dma_semaphore, #tpu.memory_space<semaphore_mem>>) src(%arg7 : memref<80x128xf32, #tpu.memory_space<vmem>>) dst(%dma_wait3A_184 : memref<10000x128xf32, #tpu.memory_space<vmem_shared>>)
        %add3A_185 = arith.constant 0 : i32
        %add3A_186 = arith.addi %add3A_130, %add3A_185 : i32
        %add3A_187 = arith.constant 3 : i32
        %add3A_188 = arith.addi %add3A_186, %add3A_187 : i32
        %dma_start3A_189 = arith.constant 0 : i32
        %dma_start3A_190 = arith.constant 0 : i32
        %dma_start3A_191 = tpu.memref_slice %arg6[%add3A_188, %dma_start3A_189, %dma_start3A_190] : memref<63x2x80xi32, #tpu.memory_space<vmem>> -> memref<1x1x80xi32, #tpu.memory_space<vmem>>
        %dma_start3A_192 = tpu.memref_squeeze %dma_start3A_191 : memref<1x1x80xi32, #tpu.memory_space<vmem>> -> memref<80xi32, #tpu.memory_space<vmem>>
        %dma_start3A_193 = arith.constant 0 : i32
        %dma_start3A_194 = arith.constant 0 : i32
        %dma_start3A_195 = tpu.memref_slice %arg2[%dma_start3A_193, %dma_start3A_194] : memref<10000x128xf32, #tpu.memory_space<hbm>> -> memref<10000x128xf32, #tpu.memory_space<hbm>>
        tpu.enqueue_indirect_dma source(%dma_start3A_195 : memref<10000x128xf32, #tpu.memory_space<hbm>>) target(%arg7 : memref<80x128xf32, #tpu.memory_space<vmem>>) offsets(%dma_start3A_192 : memref<80xi32, #tpu.memory_space<vmem>>) semaphore(%arg11 : memref<!tpu.dma_semaphore, #tpu.memory_space<semaphore_mem>>)
      } else {
      }
      %add3A_158 = arith.constant 1 : i32
      %add3A_159 = arith.addi %add3A_130, %add3A_158 : i32
      %add3A_160 = arith.constant 3 : i32
      %add3A_161 = arith.addi %add3A_159, %add3A_160 : i32
      %lt3A_162 = arith.constant 63 : i32
      %lt3A_163 = arith.cmpi slt, %add3A_161, %lt3A_162 : i32
      %convert_element_type3A_164 = arith.extui %lt3A_163 : i1 to i32
      %cond3A_165 = arith.constant 0 : i32
      %cond3A_166 = arith.cmpi ne, %convert_element_type3A_164, %cond3A_165 : i32
      scf.if %cond3A_166 {
        %add3A_176 = arith.constant 1 : i32
        %add3A_177 = arith.addi %add3A_130, %add3A_176 : i32
        %dma_wait3A_178 = arith.constant 1 : i32
        %dma_wait3A_179 = arith.constant 0 : i32
        %dma_wait3A_180 = tpu.memref_slice %arg6[%add3A_177, %dma_wait3A_178, %dma_wait3A_179] : memref<63x2x80xi32, #tpu.memory_space<vmem>> -> memref<1x1x80xi32, #tpu.memory_space<vmem>>
        %dma_wait3A_181 = tpu.memref_squeeze %dma_wait3A_180 : memref<1x1x80xi32, #tpu.memory_space<vmem>> -> memref<80xi32, #tpu.memory_space<vmem>>
        %dma_wait3A_182 = arith.constant 0 : i32
        %dma_wait3A_183 = arith.constant 0 : i32
        %dma_wait3A_184 = tpu.memref_slice %arg10[%dma_wait3A_182, %dma_wait3A_183] : memref<10000x128xf32, #tpu.memory_space<vmem_shared>> -> memref<10000x128xf32, #tpu.memory_space<vmem_shared>>
        tpu.wait_indirect_dma semaphore(%arg15 : memref<!tpu.dma_semaphore, #tpu.memory_space<semaphore_mem>>) src(%arg8 : memref<80x128xf32, #tpu.memory_space<vmem>>) dst(%dma_wait3A_184 : memref<10000x128xf32, #tpu.memory_space<vmem_shared>>)
        %add3A_185 = arith.constant 1 : i32
        %add3A_186 = arith.addi %add3A_130, %add3A_185 : i32
        %add3A_187 = arith.constant 3 : i32
        %add3A_188 = arith.addi %add3A_186, %add3A_187 : i32
        %dma_start3A_189 = arith.constant 0 : i32
        %dma_start3A_190 = arith.constant 0 : i32
        %dma_start3A_191 = tpu.memref_slice %arg6[%add3A_188, %dma_start3A_189, %dma_start3A_190] : memref<63x2x80xi32, #tpu.memory_space<vmem>> -> memref<1x1x80xi32, #tpu.memory_space<vmem>>
        %dma_start3A_192 = tpu.memref_squeeze %dma_start3A_191 : memref<1x1x80xi32, #tpu.memory_space<vmem>> -> memref<80xi32, #tpu.memory_space<vmem>>
        %dma_start3A_193 = arith.constant 0 : i32
        %dma_start3A_194 = arith.constant 0 : i32
        %dma_start3A_195 = tpu.memref_slice %arg2[%dma_start3A_193, %dma_start3A_194] : memref<10000x128xf32, #tpu.memory_space<hbm>> -> memref<10000x128xf32, #tpu.memory_space<hbm>>
        tpu.enqueue_indirect_dma source(%dma_start3A_195 : memref<10000x128xf32, #tpu.memory_space<hbm>>) target(%arg8 : memref<80x128xf32, #tpu.memory_space<vmem>>) offsets(%dma_start3A_192 : memref<80xi32, #tpu.memory_space<vmem>>) semaphore(%arg12 : memref<!tpu.dma_semaphore, #tpu.memory_space<semaphore_mem>>)
      } else {
      }
      %add3A_167 = arith.constant 2 : i32
      %add3A_168 = arith.addi %add3A_130, %add3A_167 : i32
      %add3A_169 = arith.constant 3 : i32
      %add3A_170 = arith.addi %add3A_168, %add3A_169 : i32
      %lt3A_171 = arith.constant 63 : i32
      %lt3A_172 = arith.cmpi slt, %add3A_170, %lt3A_171 : i32
      %convert_element_type3A_173 = arith.extui %lt3A_172 : i1 to i32
      %cond3A_174 = arith.constant 0 : i32
      %cond3A_175 = arith.cmpi ne, %convert_element_type3A_173, %cond3A_174 : i32
      scf.if %cond3A_175 {
        %add3A_176 = arith.constant 2 : i32
        %add3A_177 = arith.addi %add3A_130, %add3A_176 : i32
        %dma_wait3A_178 = arith.constant 1 : i32
        %dma_wait3A_179 = arith.constant 0 : i32
        %dma_wait3A_180 = tpu.memref_slice %arg6[%add3A_177, %dma_wait3A_178, %dma_wait3A_179] : memref<63x2x80xi32, #tpu.memory_space<vmem>> -> memref<1x1x80xi32, #tpu.memory_space<vmem>>
        %dma_wait3A_181 = tpu.memref_squeeze %dma_wait3A_180 : memref<1x1x80xi32, #tpu.memory_space<vmem>> -> memref<80xi32, #tpu.memory_space<vmem>>
        %dma_wait3A_182 = arith.constant 0 : i32
        %dma_wait3A_183 = arith.constant 0 : i32
        %dma_wait3A_184 = tpu.memref_slice %arg10[%dma_wait3A_182, %dma_wait3A_183] : memref<10000x128xf32, #tpu.memory_space<vmem_shared>> -> memref<10000x128xf32, #tpu.memory_space<vmem_shared>>
        tpu.wait_indirect_dma semaphore(%arg16 : memref<!tpu.dma_semaphore, #tpu.memory_space<semaphore_mem>>) src(%arg9 : memref<80x128xf32, #tpu.memory_space<vmem>>) dst(%dma_wait3A_184 : memref<10000x128xf32, #tpu.memory_space<vmem_shared>>)
        %add3A_185 = arith.constant 2 : i32
        %add3A_186 = arith.addi %add3A_130, %add3A_185 : i32
        %add3A_187 = arith.constant 3 : i32
        %add3A_188 = arith.addi %add3A_186, %add3A_187 : i32
        %dma_start3A_189 = arith.constant 0 : i32
        %dma_start3A_190 = arith.constant 0 : i32
        %dma_start3A_191 = tpu.memref_slice %arg6[%add3A_188, %dma_start3A_189, %dma_start3A_190] : memref<63x2x80xi32, #tpu.memory_space<vmem>> -> memref<1x1x80xi32, #tpu.memory_space<vmem>>
        %dma_start3A_192 = tpu.memref_squeeze %dma_start3A_191 : memref<1x1x80xi32, #tpu.memory_space<vmem>> -> memref<80xi32, #tpu.memory_space<vmem>>
        %dma_start3A_193 = arith.constant 0 : i32
        %dma_start3A_194 = arith.constant 0 : i32
        %dma_start3A_195 = tpu.memref_slice %arg2[%dma_start3A_193, %dma_start3A_194] : memref<10000x128xf32, #tpu.memory_space<hbm>> -> memref<10000x128xf32, #tpu.memory_space<hbm>>
        tpu.enqueue_indirect_dma source(%dma_start3A_195 : memref<10000x128xf32, #tpu.memory_space<hbm>>) target(%arg9 : memref<80x128xf32, #tpu.memory_space<vmem>>) offsets(%dma_start3A_192 : memref<80xi32, #tpu.memory_space<vmem>>) semaphore(%arg13 : memref<!tpu.dma_semaphore, #tpu.memory_space<semaphore_mem>>)
      } else {
      }
    }
    %scan3A_38 = arith.constant 21 : i32
    %dma_wait3A = arith.constant 60 : i32
    %dma_wait3A_39 = arith.constant 1 : i32
    %dma_wait3A_40 = arith.constant 0 : i32
    %dma_wait3A_41 = tpu.memref_slice %arg6[%dma_wait3A, %dma_wait3A_39, %dma_wait3A_40] : memref<63x2x80xi32, #tpu.memory_space<vmem>> -> memref<1x1x80xi32, #tpu.memory_space<vmem>>
    %dma_wait3A_42 = tpu.memref_squeeze %dma_wait3A_41 : memref<1x1x80xi32, #tpu.memory_space<vmem>> -> memref<80xi32, #tpu.memory_space<vmem>>
    %dma_wait3A_43 = arith.constant 0 : i32
    %dma_wait3A_44 = arith.constant 0 : i32
    %dma_wait3A_45 = tpu.memref_slice %arg10[%dma_wait3A_43, %dma_wait3A_44] : memref<10000x128xf32, #tpu.memory_space<vmem_shared>> -> memref<10000x128xf32, #tpu.memory_space<vmem_shared>>
    tpu.wait_indirect_dma semaphore(%arg14 : memref<!tpu.dma_semaphore, #tpu.memory_space<semaphore_mem>>) src(%arg7 : memref<80x128xf32, #tpu.memory_space<vmem>>) dst(%dma_wait3A_45 : memref<10000x128xf32, #tpu.memory_space<vmem_shared>>)
    %dma_wait3A_46 = arith.constant 61 : i32
    %dma_wait3A_47 = arith.constant 1 : i32
    %dma_wait3A_48 = arith.constant 0 : i32
    %dma_wait3A_49 = tpu.memref_slice %arg6[%dma_wait3A_46, %dma_wait3A_47, %dma_wait3A_48] : memref<63x2x80xi32, #tpu.memory_space<vmem>> -> memref<1x1x80xi32, #tpu.memory_space<vmem>>
    %dma_wait3A_50 = tpu.memref_squeeze %dma_wait3A_49 : memref<1x1x80xi32, #tpu.memory_space<vmem>> -> memref<80xi32, #tpu.memory_space<vmem>>
    %dma_wait3A_51 = arith.constant 0 : i32
    %dma_wait3A_52 = arith.constant 0 : i32
    %dma_wait3A_53 = tpu.memref_slice %arg10[%dma_wait3A_51, %dma_wait3A_52] : memref<10000x128xf32, #tpu.memory_space<vmem_shared>> -> memref<10000x128xf32, #tpu.memory_space<vmem_shared>>
    tpu.wait_indirect_dma semaphore(%arg15 : memref<!tpu.dma_semaphore, #tpu.memory_space<semaphore_mem>>) src(%arg8 : memref<80x128xf32, #tpu.memory_space<vmem>>) dst(%dma_wait3A_53 : memref<10000x128xf32, #tpu.memory_space<vmem_shared>>)
    %dma_wait3A_54 = arith.constant 62 : i32
    %dma_wait3A_55 = arith.constant 1 : i32
    %dma_wait3A_56 = arith.constant 0 : i32
    %dma_wait3A_57 = tpu.memref_slice %arg6[%dma_wait3A_54, %dma_wait3A_55, %dma_wait3A_56] : memref<63x2x80xi32, #tpu.memory_space<vmem>> -> memref<1x1x80xi32, #tpu.memory_space<vmem>>
    %dma_wait3A_58 = tpu.memref_squeeze %dma_wait3A_57 : memref<1x1x80xi32, #tpu.memory_space<vmem>> -> memref<80xi32, #tpu.memory_space<vmem>>
    %dma_wait3A_59 = arith.constant 0 : i32
    %dma_wait3A_60 = arith.constant 0 : i32
    %dma_wait3A_61 = tpu.memref_slice %arg10[%dma_wait3A_59, %dma_wait3A_60] : memref<10000x128xf32, #tpu.memory_space<vmem_shared>> -> memref<10000x128xf32, #tpu.memory_space<vmem_shared>>
    tpu.wait_indirect_dma semaphore(%arg16 : memref<!tpu.dma_semaphore, #tpu.memory_space<semaphore_mem>>) src(%arg9 : memref<80x128xf32, #tpu.memory_space<vmem>>) dst(%dma_wait3A_61 : memref<10000x128xf32, #tpu.memory_space<vmem_shared>>)
    %add3A_62 = arith.constant 63 : i32
    %add3A_63 = arith.addi %mul3A_2, %add3A_62 : i32
    "tpu.region"() ({
      %run_scoped3A = tpu.sem_alloc : memref<!tpu.dma_semaphore, #tpu.memory_space<semaphore_mem>>
      %dma_start3A_126 = arith.constant 0 : i32
      %dma_start3A_127 = arith.constant 0 : i32
      %dma_start3A_128 = arith.constant 0 : i32
      %dma_start3A_129 = tpu.memref_slice %arg6[%dma_start3A_126, %dma_start3A_127, %dma_start3A_128] : memref<63x2x80xi32, #tpu.memory_space<vmem>> -> memref<62x2x80xi32, #tpu.memory_space<vmem>>
      %dma_start3A_130 = arith.constant 0 : i32
      %dma_start3A_131 = arith.constant 0 : i32
      %dma_start3A_132 = tpu.memref_slice %arg3[%add3A_63, %dma_start3A_130, %dma_start3A_131] : memref<4000x2x80xi32, #tpu.memory_space<hbm>> -> memref<62x2x80xi32, #tpu.memory_space<hbm>>
      %dma_start3A_133 = arith.constant 0 : i32
      %dma_start3A_134 = arith.constant 0 : i32
      %dma_start3A_135 = arith.constant 0 : i32
      %dma_start3A_136 = tpu.memref_slice %arg6[%dma_start3A_133, %dma_start3A_134, %dma_start3A_135] : memref<63x2x80xi32, #tpu.memory_space<vmem>> -> memref<62x2x80xi32, #tpu.memory_space<vmem>>
      %dma_start3A_137 = arith.constant 0 : i32
      %dma_start3A_138 = arith.constant 0 : i32
      %dma_start3A_139 = tpu.memref_slice %arg3[%add3A_63, %dma_start3A_137, %dma_start3A_138] : memref<4000x2x80xi32, #tpu.memory_space<hbm>> -> memref<62x2x80xi32, #tpu.memory_space<hbm>>
      tpu.enqueue_dma source(%dma_start3A_139 : memref<62x2x80xi32, #tpu.memory_space<hbm>>) target(%dma_start3A_136 : memref<62x2x80xi32, #tpu.memory_space<vmem>>) target_semaphore(%run_scoped3A : memref<!tpu.dma_semaphore, #tpu.memory_space<semaphore_mem>>)
      %dma_wait3A_140 = arith.constant 0 : i32
      %dma_wait3A_141 = arith.constant 0 : i32
      %dma_wait3A_142 = arith.constant 0 : i32
      %dma_wait3A_143 = tpu.memref_slice %arg6[%dma_wait3A_140, %dma_wait3A_141, %dma_wait3A_142] : memref<63x2x80xi32, #tpu.memory_space<vmem>> -> memref<62x2x80xi32, #tpu.memory_space<vmem>>
      %dma_wait3A_144 = arith.constant 0 : i32
      %dma_wait3A_145 = arith.constant 0 : i32
      %dma_wait3A_146 = tpu.memref_slice %arg3[%add3A_63, %dma_wait3A_144, %dma_wait3A_145] : memref<4000x2x80xi32, #tpu.memory_space<hbm>> -> memref<62x2x80xi32, #tpu.memory_space<hbm>>
      %dma_wait3A_147 = arith.constant 0 : i32
      %dma_wait3A_148 = arith.constant 0 : i32
      %dma_wait3A_149 = arith.constant 0 : i32
      %dma_wait3A_150 = tpu.memref_slice %arg6[%dma_wait3A_147, %dma_wait3A_148, %dma_wait3A_149] : memref<63x2x80xi32, #tpu.memory_space<vmem>> -> memref<62x2x80xi32, #tpu.memory_space<vmem>>
      %dma_wait3A_151 = arith.constant 0 : i32
      %dma_wait3A_152 = arith.constant 0 : i32
      %dma_wait3A_153 = tpu.memref_slice %arg3[%add3A_63, %dma_wait3A_151, %dma_wait3A_152] : memref<4000x2x80xi32, #tpu.memory_space<hbm>> -> memref<62x2x80xi32, #tpu.memory_space<hbm>>
      tpu.wait_dma2 semaphore(%run_scoped3A : memref<!tpu.dma_semaphore, #tpu.memory_space<semaphore_mem>>) src(%dma_wait3A_153 : memref<62x2x80xi32, #tpu.memory_space<hbm>>) dst(%dma_wait3A_150 : memref<62x2x80xi32, #tpu.memory_space<vmem>>)
      tpu.yield
    }) : () -> ()
    %dma_start3A_64 = arith.constant 0 : i32
    %dma_start3A_65 = arith.constant 0 : i32
    %dma_start3A_66 = arith.constant 0 : i32
    %dma_start3A_67 = tpu.memref_slice %arg6[%dma_start3A_64, %dma_start3A_65, %dma_start3A_66] : memref<63x2x80xi32, #tpu.memory_space<vmem>> -> memref<1x1x80xi32, #tpu.memory_space<vmem>>
    %dma_start3A_68 = tpu.memref_squeeze %dma_start3A_67 : memref<1x1x80xi32, #tpu.memory_space<vmem>> -> memref<80xi32, #tpu.memory_space<vmem>>
    %dma_start3A_69 = arith.constant 0 : i32
    %dma_start3A_70 = arith.constant 0 : i32
    %dma_start3A_71 = tpu.memref_slice %arg2[%dma_start3A_69, %dma_start3A_70] : memref<10000x128xf32, #tpu.memory_space<hbm>> -> memref<10000x128xf32, #tpu.memory_space<hbm>>
    tpu.enqueue_indirect_dma source(%dma_start3A_71 : memref<10000x128xf32, #tpu.memory_space<hbm>>) target(%arg7 : memref<80x128xf32, #tpu.memory_space<vmem>>) offsets(%dma_start3A_68 : memref<80xi32, #tpu.memory_space<vmem>>) semaphore(%arg11 : memref<!tpu.dma_semaphore, #tpu.memory_space<semaphore_mem>>)
    %dma_start3A_72 = arith.constant 1 : i32
    %dma_start3A_73 = arith.constant 0 : i32
    %dma_start3A_74 = arith.constant 0 : i32
    %dma_start3A_75 = tpu.memref_slice %arg6[%dma_start3A_72, %dma_start3A_73, %dma_start3A_74] : memref<63x2x80xi32, #tpu.memory_space<vmem>> -> memref<1x1x80xi32, #tpu.memory_space<vmem>>
    %dma_start3A_76 = tpu.memref_squeeze %dma_start3A_75 : memref<1x1x80xi32, #tpu.memory_space<vmem>> -> memref<80xi32, #tpu.memory_space<vmem>>
    %dma_start3A_77 = arith.constant 0 : i32
    %dma_start3A_78 = arith.constant 0 : i32
    %dma_start3A_79 = tpu.memref_slice %arg2[%dma_start3A_77, %dma_start3A_78] : memref<10000x128xf32, #tpu.memory_space<hbm>> -> memref<10000x128xf32, #tpu.memory_space<hbm>>
    tpu.enqueue_indirect_dma source(%dma_start3A_79 : memref<10000x128xf32, #tpu.memory_space<hbm>>) target(%arg8 : memref<80x128xf32, #tpu.memory_space<vmem>>) offsets(%dma_start3A_76 : memref<80xi32, #tpu.memory_space<vmem>>) semaphore(%arg12 : memref<!tpu.dma_semaphore, #tpu.memory_space<semaphore_mem>>)
    %dma_start3A_80 = arith.constant 2 : i32
    %dma_start3A_81 = arith.constant 0 : i32
    %dma_start3A_82 = arith.constant 0 : i32
    %dma_start3A_83 = tpu.memref_slice %arg6[%dma_start3A_80, %dma_start3A_81, %dma_start3A_82] : memref<63x2x80xi32, #tpu.memory_space<vmem>> -> memref<1x1x80xi32, #tpu.memory_space<vmem>>
    %dma_start3A_84 = tpu.memref_squeeze %dma_start3A_83 : memref<1x1x80xi32, #tpu.memory_space<vmem>> -> memref<80xi32, #tpu.memory_space<vmem>>
    %dma_start3A_85 = arith.constant 0 : i32
    %dma_start3A_86 = arith.constant 0 : i32
    %dma_start3A_87 = tpu.memref_slice %arg2[%dma_start3A_85, %dma_start3A_86] : memref<10000x128xf32, #tpu.memory_space<hbm>> -> memref<10000x128xf32, #tpu.memory_space<hbm>>
    tpu.enqueue_indirect_dma source(%dma_start3A_87 : memref<10000x128xf32, #tpu.memory_space<hbm>>) target(%arg9 : memref<80x128xf32, #tpu.memory_space<vmem>>) offsets(%dma_start3A_84 : memref<80xi32, #tpu.memory_space<vmem>>) semaphore(%arg13 : memref<!tpu.dma_semaphore, #tpu.memory_space<semaphore_mem>>)
    %scan3A_88 = arith.constant 0 : i32
    %scan3A_89 = arith.constant 21 : i32
    %scan3A_90 = arith.addi %scan3A_88, %scan3A_89 : i32
    %scan3A_91 = arith.constant 1 : i32
    scf.for %scan3A_126 = %scan3A_88 to %scan3A_90 step %scan3A_91  : i32 {
      %mul3A_127 = arith.constant 3 : i32
      %mul3A_128 = arith.muli %scan3A_126, %mul3A_127 : i32
      %add3A_129 = arith.constant 0 : i32
      %add3A_130 = arith.addi %add3A_129, %mul3A_128 : i32
      %add3A_131 = arith.constant 0 : i32
      %add3A_132 = arith.addi %add3A_130, %add3A_131 : i32
      %lt3A = arith.constant 62 : i32
      %lt3A_133 = arith.cmpi slt, %add3A_132, %lt3A : i32
      %convert_element_type3A = arith.extui %lt3A_133 : i1 to i32
      %cond3A = arith.constant 0 : i32
      %cond3A_134 = arith.cmpi ne, %convert_element_type3A, %cond3A : i32
      scf.if %cond3A_134 {
        %add3A_176 = arith.constant 0 : i32
        %add3A_177 = arith.addi %add3A_130, %add3A_176 : i32
        %dma_wait3A_178 = arith.constant 0 : i32
        %dma_wait3A_179 = arith.constant 0 : i32
        %dma_wait3A_180 = tpu.memref_slice %arg6[%add3A_177, %dma_wait3A_178, %dma_wait3A_179] : memref<63x2x80xi32, #tpu.memory_space<vmem>> -> memref<1x1x80xi32, #tpu.memory_space<vmem>>
        %dma_wait3A_181 = tpu.memref_squeeze %dma_wait3A_180 : memref<1x1x80xi32, #tpu.memory_space<vmem>> -> memref<80xi32, #tpu.memory_space<vmem>>
        %dma_wait3A_182 = arith.constant 0 : i32
        %dma_wait3A_183 = arith.constant 0 : i32
        %dma_wait3A_184 = tpu.memref_slice %arg2[%dma_wait3A_182, %dma_wait3A_183] : memref<10000x128xf32, #tpu.memory_space<hbm>> -> memref<10000x128xf32, #tpu.memory_space<hbm>>
        tpu.wait_indirect_dma semaphore(%arg11 : memref<!tpu.dma_semaphore, #tpu.memory_space<semaphore_mem>>) src(%dma_wait3A_184 : memref<10000x128xf32, #tpu.memory_space<hbm>>) dst(%arg7 : memref<80x128xf32, #tpu.memory_space<vmem>>)
        %add3A_185 = arith.constant 0 : i32
        %add3A_186 = arith.addi %add3A_130, %add3A_185 : i32
        %dma_start3A_187 = arith.constant 1 : i32
        %dma_start3A_188 = arith.constant 0 : i32
        %dma_start3A_189 = tpu.memref_slice %arg6[%add3A_186, %dma_start3A_187, %dma_start3A_188] : memref<63x2x80xi32, #tpu.memory_space<vmem>> -> memref<1x1x80xi32, #tpu.memory_space<vmem>>
        %dma_start3A_190 = tpu.memref_squeeze %dma_start3A_189 : memref<1x1x80xi32, #tpu.memory_space<vmem>> -> memref<80xi32, #tpu.memory_space<vmem>>
        %dma_start3A_191 = arith.constant 0 : i32
        %dma_start3A_192 = arith.constant 0 : i32
        %dma_start3A_193 = tpu.memref_slice %arg10[%dma_start3A_191, %dma_start3A_192] : memref<10000x128xf32, #tpu.memory_space<vmem_shared>> -> memref<10000x128xf32, #tpu.memory_space<vmem_shared>>
        tpu.enqueue_indirect_dma source(%arg7 : memref<80x128xf32, #tpu.memory_space<vmem>>) target(%dma_start3A_193 : memref<10000x128xf32, #tpu.memory_space<vmem_shared>>) offsets(%dma_start3A_190 : memref<80xi32, #tpu.memory_space<vmem>>) semaphore(%arg14 : memref<!tpu.dma_semaphore, #tpu.memory_space<semaphore_mem>>) {add = true}
      } else {
      }
      %add3A_135 = arith.constant 1 : i32
      %add3A_136 = arith.addi %add3A_130, %add3A_135 : i32
      %lt3A_137 = arith.constant 62 : i32
      %lt3A_138 = arith.cmpi slt, %add3A_136, %lt3A_137 : i32
      %convert_element_type3A_139 = arith.extui %lt3A_138 : i1 to i32
      %cond3A_140 = arith.constant 0 : i32
      %cond3A_141 = arith.cmpi ne, %convert_element_type3A_139, %cond3A_140 : i32
      scf.if %cond3A_141 {
        %add3A_176 = arith.constant 1 : i32
        %add3A_177 = arith.addi %add3A_130, %add3A_176 : i32
        %dma_wait3A_178 = arith.constant 0 : i32
        %dma_wait3A_179 = arith.constant 0 : i32
        %dma_wait3A_180 = tpu.memref_slice %arg6[%add3A_177, %dma_wait3A_178, %dma_wait3A_179] : memref<63x2x80xi32, #tpu.memory_space<vmem>> -> memref<1x1x80xi32, #tpu.memory_space<vmem>>
        %dma_wait3A_181 = tpu.memref_squeeze %dma_wait3A_180 : memref<1x1x80xi32, #tpu.memory_space<vmem>> -> memref<80xi32, #tpu.memory_space<vmem>>
        %dma_wait3A_182 = arith.constant 0 : i32
        %dma_wait3A_183 = arith.constant 0 : i32
        %dma_wait3A_184 = tpu.memref_slice %arg2[%dma_wait3A_182, %dma_wait3A_183] : memref<10000x128xf32, #tpu.memory_space<hbm>> -> memref<10000x128xf32, #tpu.memory_space<hbm>>
        tpu.wait_indirect_dma semaphore(%arg12 : memref<!tpu.dma_semaphore, #tpu.memory_space<semaphore_mem>>) src(%dma_wait3A_184 : memref<10000x128xf32, #tpu.memory_space<hbm>>) dst(%arg8 : memref<80x128xf32, #tpu.memory_space<vmem>>)
        %add3A_185 = arith.constant 1 : i32
        %add3A_186 = arith.addi %add3A_130, %add3A_185 : i32
        %dma_start3A_187 = arith.constant 1 : i32
        %dma_start3A_188 = arith.constant 0 : i32
        %dma_start3A_189 = tpu.memref_slice %arg6[%add3A_186, %dma_start3A_187, %dma_start3A_188] : memref<63x2x80xi32, #tpu.memory_space<vmem>> -> memref<1x1x80xi32, #tpu.memory_space<vmem>>
        %dma_start3A_190 = tpu.memref_squeeze %dma_start3A_189 : memref<1x1x80xi32, #tpu.memory_space<vmem>> -> memref<80xi32, #tpu.memory_space<vmem>>
        %dma_start3A_191 = arith.constant 0 : i32
        %dma_start3A_192 = arith.constant 0 : i32
        %dma_start3A_193 = tpu.memref_slice %arg10[%dma_start3A_191, %dma_start3A_192] : memref<10000x128xf32, #tpu.memory_space<vmem_shared>> -> memref<10000x128xf32, #tpu.memory_space<vmem_shared>>
        tpu.enqueue_indirect_dma source(%arg8 : memref<80x128xf32, #tpu.memory_space<vmem>>) target(%dma_start3A_193 : memref<10000x128xf32, #tpu.memory_space<vmem_shared>>) offsets(%dma_start3A_190 : memref<80xi32, #tpu.memory_space<vmem>>) semaphore(%arg15 : memref<!tpu.dma_semaphore, #tpu.memory_space<semaphore_mem>>) {add = true}
      } else {
      }
      %add3A_142 = arith.constant 2 : i32
      %add3A_143 = arith.addi %add3A_130, %add3A_142 : i32
      %lt3A_144 = arith.constant 62 : i32
      %lt3A_145 = arith.cmpi slt, %add3A_143, %lt3A_144 : i32
      %convert_element_type3A_146 = arith.extui %lt3A_145 : i1 to i32
      %cond3A_147 = arith.constant 0 : i32
      %cond3A_148 = arith.cmpi ne, %convert_element_type3A_146, %cond3A_147 : i32
      scf.if %cond3A_148 {
        %add3A_176 = arith.constant 2 : i32
        %add3A_177 = arith.addi %add3A_130, %add3A_176 : i32
        %dma_wait3A_178 = arith.constant 0 : i32
        %dma_wait3A_179 = arith.constant 0 : i32
        %dma_wait3A_180 = tpu.memref_slice %arg6[%add3A_177, %dma_wait3A_178, %dma_wait3A_179] : memref<63x2x80xi32, #tpu.memory_space<vmem>> -> memref<1x1x80xi32, #tpu.memory_space<vmem>>
        %dma_wait3A_181 = tpu.memref_squeeze %dma_wait3A_180 : memref<1x1x80xi32, #tpu.memory_space<vmem>> -> memref<80xi32, #tpu.memory_space<vmem>>
        %dma_wait3A_182 = arith.constant 0 : i32
        %dma_wait3A_183 = arith.constant 0 : i32
        %dma_wait3A_184 = tpu.memref_slice %arg2[%dma_wait3A_182, %dma_wait3A_183] : memref<10000x128xf32, #tpu.memory_space<hbm>> -> memref<10000x128xf32, #tpu.memory_space<hbm>>
        tpu.wait_indirect_dma semaphore(%arg13 : memref<!tpu.dma_semaphore, #tpu.memory_space<semaphore_mem>>) src(%dma_wait3A_184 : memref<10000x128xf32, #tpu.memory_space<hbm>>) dst(%arg9 : memref<80x128xf32, #tpu.memory_space<vmem>>)
        %add3A_185 = arith.constant 2 : i32
        %add3A_186 = arith.addi %add3A_130, %add3A_185 : i32
        %dma_start3A_187 = arith.constant 1 : i32
        %dma_start3A_188 = arith.constant 0 : i32
        %dma_start3A_189 = tpu.memref_slice %arg6[%add3A_186, %dma_start3A_187, %dma_start3A_188] : memref<63x2x80xi32, #tpu.memory_space<vmem>> -> memref<1x1x80xi32, #tpu.memory_space<vmem>>
        %dma_start3A_190 = tpu.memref_squeeze %dma_start3A_189 : memref<1x1x80xi32, #tpu.memory_space<vmem>> -> memref<80xi32, #tpu.memory_space<vmem>>
        %dma_start3A_191 = arith.constant 0 : i32
        %dma_start3A_192 = arith.constant 0 : i32
        %dma_start3A_193 = tpu.memref_slice %arg10[%dma_start3A_191, %dma_start3A_192] : memref<10000x128xf32, #tpu.memory_space<vmem_shared>> -> memref<10000x128xf32, #tpu.memory_space<vmem_shared>>
        tpu.enqueue_indirect_dma source(%arg9 : memref<80x128xf32, #tpu.memory_space<vmem>>) target(%dma_start3A_193 : memref<10000x128xf32, #tpu.memory_space<vmem_shared>>) offsets(%dma_start3A_190 : memref<80xi32, #tpu.memory_space<vmem>>) semaphore(%arg16 : memref<!tpu.dma_semaphore, #tpu.memory_space<semaphore_mem>>) {add = true}
      } else {
      }
      %add3A_149 = arith.constant 0 : i32
      %add3A_150 = arith.addi %add3A_130, %add3A_149 : i32
      %add3A_151 = arith.constant 3 : i32
      %add3A_152 = arith.addi %add3A_150, %add3A_151 : i32
      %lt3A_153 = arith.constant 62 : i32
      %lt3A_154 = arith.cmpi slt, %add3A_152, %lt3A_153 : i32
      %convert_element_type3A_155 = arith.extui %lt3A_154 : i1 to i32
      %cond3A_156 = arith.constant 0 : i32
      %cond3A_157 = arith.cmpi ne, %convert_element_type3A_155, %cond3A_156 : i32
      scf.if %cond3A_157 {
        %add3A_176 = arith.constant 0 : i32
        %add3A_177 = arith.addi %add3A_130, %add3A_176 : i32
        %dma_wait3A_178 = arith.constant 1 : i32
        %dma_wait3A_179 = arith.constant 0 : i32
        %dma_wait3A_180 = tpu.memref_slice %arg6[%add3A_177, %dma_wait3A_178, %dma_wait3A_179] : memref<63x2x80xi32, #tpu.memory_space<vmem>> -> memref<1x1x80xi32, #tpu.memory_space<vmem>>
        %dma_wait3A_181 = tpu.memref_squeeze %dma_wait3A_180 : memref<1x1x80xi32, #tpu.memory_space<vmem>> -> memref<80xi32, #tpu.memory_space<vmem>>
        %dma_wait3A_182 = arith.constant 0 : i32
        %dma_wait3A_183 = arith.constant 0 : i32
        %dma_wait3A_184 = tpu.memref_slice %arg10[%dma_wait3A_182, %dma_wait3A_183] : memref<10000x128xf32, #tpu.memory_space<vmem_shared>> -> memref<10000x128xf32, #tpu.memory_space<vmem_shared>>
        tpu.wait_indirect_dma semaphore(%arg14 : memref<!tpu.dma_semaphore, #tpu.memory_space<semaphore_mem>>) src(%arg7 : memref<80x128xf32, #tpu.memory_space<vmem>>) dst(%dma_wait3A_184 : memref<10000x128xf32, #tpu.memory_space<vmem_shared>>)
        %add3A_185 = arith.constant 0 : i32
        %add3A_186 = arith.addi %add3A_130, %add3A_185 : i32
        %add3A_187 = arith.constant 3 : i32
        %add3A_188 = arith.addi %add3A_186, %add3A_187 : i32
        %dma_start3A_189 = arith.constant 0 : i32
        %dma_start3A_190 = arith.constant 0 : i32
        %dma_start3A_191 = tpu.memref_slice %arg6[%add3A_188, %dma_start3A_189, %dma_start3A_190] : memref<63x2x80xi32, #tpu.memory_space<vmem>> -> memref<1x1x80xi32, #tpu.memory_space<vmem>>
        %dma_start3A_192 = tpu.memref_squeeze %dma_start3A_191 : memref<1x1x80xi32, #tpu.memory_space<vmem>> -> memref<80xi32, #tpu.memory_space<vmem>>
        %dma_start3A_193 = arith.constant 0 : i32
        %dma_start3A_194 = arith.constant 0 : i32
        %dma_start3A_195 = tpu.memref_slice %arg2[%dma_start3A_193, %dma_start3A_194] : memref<10000x128xf32, #tpu.memory_space<hbm>> -> memref<10000x128xf32, #tpu.memory_space<hbm>>
        tpu.enqueue_indirect_dma source(%dma_start3A_195 : memref<10000x128xf32, #tpu.memory_space<hbm>>) target(%arg7 : memref<80x128xf32, #tpu.memory_space<vmem>>) offsets(%dma_start3A_192 : memref<80xi32, #tpu.memory_space<vmem>>) semaphore(%arg11 : memref<!tpu.dma_semaphore, #tpu.memory_space<semaphore_mem>>)
      } else {
      }
      %add3A_158 = arith.constant 1 : i32
      %add3A_159 = arith.addi %add3A_130, %add3A_158 : i32
      %add3A_160 = arith.constant 3 : i32
      %add3A_161 = arith.addi %add3A_159, %add3A_160 : i32
      %lt3A_162 = arith.constant 62 : i32
      %lt3A_163 = arith.cmpi slt, %add3A_161, %lt3A_162 : i32
      %convert_element_type3A_164 = arith.extui %lt3A_163 : i1 to i32
      %cond3A_165 = arith.constant 0 : i32
      %cond3A_166 = arith.cmpi ne, %convert_element_type3A_164, %cond3A_165 : i32
      scf.if %cond3A_166 {
        %add3A_176 = arith.constant 1 : i32
        %add3A_177 = arith.addi %add3A_130, %add3A_176 : i32
        %dma_wait3A_178 = arith.constant 1 : i32
        %dma_wait3A_179 = arith.constant 0 : i32
        %dma_wait3A_180 = tpu.memref_slice %arg6[%add3A_177, %dma_wait3A_178, %dma_wait3A_179] : memref<63x2x80xi32, #tpu.memory_space<vmem>> -> memref<1x1x80xi32, #tpu.memory_space<vmem>>
        %dma_wait3A_181 = tpu.memref_squeeze %dma_wait3A_180 : memref<1x1x80xi32, #tpu.memory_space<vmem>> -> memref<80xi32, #tpu.memory_space<vmem>>
        %dma_wait3A_182 = arith.constant 0 : i32
        %dma_wait3A_183 = arith.constant 0 : i32
        %dma_wait3A_184 = tpu.memref_slice %arg10[%dma_wait3A_182, %dma_wait3A_183] : memref<10000x128xf32, #tpu.memory_space<vmem_shared>> -> memref<10000x128xf32, #tpu.memory_space<vmem_shared>>
        tpu.wait_indirect_dma semaphore(%arg15 : memref<!tpu.dma_semaphore, #tpu.memory_space<semaphore_mem>>) src(%arg8 : memref<80x128xf32, #tpu.memory_space<vmem>>) dst(%dma_wait3A_184 : memref<10000x128xf32, #tpu.memory_space<vmem_shared>>)
        %add3A_185 = arith.constant 1 : i32
        %add3A_186 = arith.addi %add3A_130, %add3A_185 : i32
        %add3A_187 = arith.constant 3 : i32
        %add3A_188 = arith.addi %add3A_186, %add3A_187 : i32
        %dma_start3A_189 = arith.constant 0 : i32
        %dma_start3A_190 = arith.constant 0 : i32
        %dma_start3A_191 = tpu.memref_slice %arg6[%add3A_188, %dma_start3A_189, %dma_start3A_190] : memref<63x2x80xi32, #tpu.memory_space<vmem>> -> memref<1x1x80xi32, #tpu.memory_space<vmem>>
        %dma_start3A_192 = tpu.memref_squeeze %dma_start3A_191 : memref<1x1x80xi32, #tpu.memory_space<vmem>> -> memref<80xi32, #tpu.memory_space<vmem>>
        %dma_start3A_193 = arith.constant 0 : i32
        %dma_start3A_194 = arith.constant 0 : i32
        %dma_start3A_195 = tpu.memref_slice %arg2[%dma_start3A_193, %dma_start3A_194] : memref<10000x128xf32, #tpu.memory_space<hbm>> -> memref<10000x128xf32, #tpu.memory_space<hbm>>
        tpu.enqueue_indirect_dma source(%dma_start3A_195 : memref<10000x128xf32, #tpu.memory_space<hbm>>) target(%arg8 : memref<80x128xf32, #tpu.memory_space<vmem>>) offsets(%dma_start3A_192 : memref<80xi32, #tpu.memory_space<vmem>>) semaphore(%arg12 : memref<!tpu.dma_semaphore, #tpu.memory_space<semaphore_mem>>)
      } else {
      }
      %add3A_167 = arith.constant 2 : i32
      %add3A_168 = arith.addi %add3A_130, %add3A_167 : i32
      %add3A_169 = arith.constant 3 : i32
      %add3A_170 = arith.addi %add3A_168, %add3A_169 : i32
      %lt3A_171 = arith.constant 62 : i32
      %lt3A_172 = arith.cmpi slt, %add3A_170, %lt3A_171 : i32
      %convert_element_type3A_173 = arith.extui %lt3A_172 : i1 to i32
      %cond3A_174 = arith.constant 0 : i32
      %cond3A_175 = arith.cmpi ne, %convert_element_type3A_173, %cond3A_174 : i32
      scf.if %cond3A_175 {
        %add3A_176 = arith.constant 2 : i32
        %add3A_177 = arith.addi %add3A_130, %add3A_176 : i32
        %dma_wait3A_178 = arith.constant 1 : i32
        %dma_wait3A_179 = arith.constant 0 : i32
        %dma_wait3A_180 = tpu.memref_slice %arg6[%add3A_177, %dma_wait3A_178, %dma_wait3A_179] : memref<63x2x80xi32, #tpu.memory_space<vmem>> -> memref<1x1x80xi32, #tpu.memory_space<vmem>>
        %dma_wait3A_181 = tpu.memref_squeeze %dma_wait3A_180 : memref<1x1x80xi32, #tpu.memory_space<vmem>> -> memref<80xi32, #tpu.memory_space<vmem>>
        %dma_wait3A_182 = arith.constant 0 : i32
        %dma_wait3A_183 = arith.constant 0 : i32
        %dma_wait3A_184 = tpu.memref_slice %arg10[%dma_wait3A_182, %dma_wait3A_183] : memref<10000x128xf32, #tpu.memory_space<vmem_shared>> -> memref<10000x128xf32, #tpu.memory_space<vmem_shared>>
        tpu.wait_indirect_dma semaphore(%arg16 : memref<!tpu.dma_semaphore, #tpu.memory_space<semaphore_mem>>) src(%arg9 : memref<80x128xf32, #tpu.memory_space<vmem>>) dst(%dma_wait3A_184 : memref<10000x128xf32, #tpu.memory_space<vmem_shared>>)
        %add3A_185 = arith.constant 2 : i32
        %add3A_186 = arith.addi %add3A_130, %add3A_185 : i32
        %add3A_187 = arith.constant 3 : i32
        %add3A_188 = arith.addi %add3A_186, %add3A_187 : i32
        %dma_start3A_189 = arith.constant 0 : i32
        %dma_start3A_190 = arith.constant 0 : i32
        %dma_start3A_191 = tpu.memref_slice %arg6[%add3A_188, %dma_start3A_189, %dma_start3A_190] : memref<63x2x80xi32, #tpu.memory_space<vmem>> -> memref<1x1x80xi32, #tpu.memory_space<vmem>>
        %dma_start3A_192 = tpu.memref_squeeze %dma_start3A_191 : memref<1x1x80xi32, #tpu.memory_space<vmem>> -> memref<80xi32, #tpu.memory_space<vmem>>
        %dma_start3A_193 = arith.constant 0 : i32
        %dma_start3A_194 = arith.constant 0 : i32
        %dma_start3A_195 = tpu.memref_slice %arg2[%dma_start3A_193, %dma_start3A_194] : memref<10000x128xf32, #tpu.memory_space<hbm>> -> memref<10000x128xf32, #tpu.memory_space<hbm>>
        tpu.enqueue_indirect_dma source(%dma_start3A_195 : memref<10000x128xf32, #tpu.memory_space<hbm>>) target(%arg9 : memref<80x128xf32, #tpu.memory_space<vmem>>) offsets(%dma_start3A_192 : memref<80xi32, #tpu.memory_space<vmem>>) semaphore(%arg13 : memref<!tpu.dma_semaphore, #tpu.memory_space<semaphore_mem>>)
      } else {
      }
    }
    %scan3A_92 = arith.constant 21 : i32
    %dma_wait3A_93 = arith.constant 59 : i32
    %dma_wait3A_94 = arith.constant 1 : i32
    %dma_wait3A_95 = arith.constant 0 : i32
    %dma_wait3A_96 = tpu.memref_slice %arg6[%dma_wait3A_93, %dma_wait3A_94, %dma_wait3A_95] : memref<63x2x80xi32, #tpu.memory_space<vmem>> -> memref<1x1x80xi32, #tpu.memory_space<vmem>>
    %dma_wait3A_97 = tpu.memref_squeeze %dma_wait3A_96 : memref<1x1x80xi32, #tpu.memory_space<vmem>> -> memref<80xi32, #tpu.memory_space<vmem>>
    %dma_wait3A_98 = arith.constant 0 : i32
    %dma_wait3A_99 = arith.constant 0 : i32
    %dma_wait3A_100 = tpu.memref_slice %arg10[%dma_wait3A_98, %dma_wait3A_99] : memref<10000x128xf32, #tpu.memory_space<vmem_shared>> -> memref<10000x128xf32, #tpu.memory_space<vmem_shared>>
    tpu.wait_indirect_dma semaphore(%arg16 : memref<!tpu.dma_semaphore, #tpu.memory_space<semaphore_mem>>) src(%arg9 : memref<80x128xf32, #tpu.memory_space<vmem>>) dst(%dma_wait3A_100 : memref<10000x128xf32, #tpu.memory_space<vmem_shared>>)
    %dma_wait3A_101 = arith.constant 60 : i32
    %dma_wait3A_102 = arith.constant 1 : i32
    %dma_wait3A_103 = arith.constant 0 : i32
    %dma_wait3A_104 = tpu.memref_slice %arg6[%dma_wait3A_101, %dma_wait3A_102, %dma_wait3A_103] : memref<63x2x80xi32, #tpu.memory_space<vmem>> -> memref<1x1x80xi32, #tpu.memory_space<vmem>>
    %dma_wait3A_105 = tpu.memref_squeeze %dma_wait3A_104 : memref<1x1x80xi32, #tpu.memory_space<vmem>> -> memref<80xi32, #tpu.memory_space<vmem>>
    %dma_wait3A_106 = arith.constant 0 : i32
    %dma_wait3A_107 = arith.constant 0 : i32
    %dma_wait3A_108 = tpu.memref_slice %arg10[%dma_wait3A_106, %dma_wait3A_107] : memref<10000x128xf32, #tpu.memory_space<vmem_shared>> -> memref<10000x128xf32, #tpu.memory_space<vmem_shared>>
    tpu.wait_indirect_dma semaphore(%arg14 : memref<!tpu.dma_semaphore, #tpu.memory_space<semaphore_mem>>) src(%arg7 : memref<80x128xf32, #tpu.memory_space<vmem>>) dst(%dma_wait3A_108 : memref<10000x128xf32, #tpu.memory_space<vmem_shared>>)
    %dma_wait3A_109 = arith.constant 61 : i32
    %dma_wait3A_110 = arith.constant 1 : i32
    %dma_wait3A_111 = arith.constant 0 : i32
    %dma_wait3A_112 = tpu.memref_slice %arg6[%dma_wait3A_109, %dma_wait3A_110, %dma_wait3A_111] : memref<63x2x80xi32, #tpu.memory_space<vmem>> -> memref<1x1x80xi32, #tpu.memory_space<vmem>>
    %dma_wait3A_113 = tpu.memref_squeeze %dma_wait3A_112 : memref<1x1x80xi32, #tpu.memory_space<vmem>> -> memref<80xi32, #tpu.memory_space<vmem>>
    %dma_wait3A_114 = arith.constant 0 : i32
    %dma_wait3A_115 = arith.constant 0 : i32
    %dma_wait3A_116 = tpu.memref_slice %arg10[%dma_wait3A_114, %dma_wait3A_115] : memref<10000x128xf32, #tpu.memory_space<vmem_shared>> -> memref<10000x128xf32, #tpu.memory_space<vmem_shared>>
    tpu.wait_indirect_dma semaphore(%arg15 : memref<!tpu.dma_semaphore, #tpu.memory_space<semaphore_mem>>) src(%arg8 : memref<80x128xf32, #tpu.memory_space<vmem>>) dst(%dma_wait3A_116 : memref<10000x128xf32, #tpu.memory_space<vmem_shared>>)
    %barrier3A_117 = arith.constant 0 : index
    tpu.barrier barrier_id(%barrier3A_117)
    %mul3A_118 = arith.constant 632 : i32
    %mul3A_119 = arith.muli %arg1, %mul3A_118 : i32
    %min3A_120 = arith.constant 9368 : i32
    %min3A_121 = arith.minsi %mul3A_119, %min3A_120 : i32
    %mul3A_122 = arith.constant 632 : i32
    %mul3A_123 = arith.muli %arg1, %mul3A_122 : i32
    %min3A_124 = arith.constant 9368 : i32
    %min3A_125 = arith.minsi %mul3A_123, %min3A_124 : i32
    "tpu.region"() ({
      %run_scoped3A = tpu.sem_alloc : memref<!tpu.dma_semaphore, #tpu.memory_space<semaphore_mem>>
      %dma_start3A_126 = arith.constant 0 : i32
      %dma_start3A_127 = tpu.memref_slice %arg5[%arg0, %min3A_125, %dma_start3A_126] : memref<2x10000x128xf32, #tpu.memory_space<hbm>> -> memref<1x632x128xf32, #tpu.memory_space<hbm>>
      %dma_start3A_128 = tpu.memref_squeeze %dma_start3A_127 : memref<1x632x128xf32, #tpu.memory_space<hbm>> -> memref<632x128xf32, #tpu.memory_space<hbm>>
      %dma_start3A_129 = arith.constant 0 : i32
      %dma_start3A_130 = tpu.memref_slice %arg10[%min3A_121, %dma_start3A_129] : memref<10000x128xf32, #tpu.memory_space<vmem_shared>> -> memref<632x128xf32, #tpu.memory_space<vmem_shared>>
      tpu.enqueue_dma source(%dma_start3A_130 : memref<632x128xf32, #tpu.memory_space<vmem_shared>>) target(%dma_start3A_128 : memref<632x128xf32, #tpu.memory_space<hbm>>) target_semaphore(%run_scoped3A : memref<!tpu.dma_semaphore, #tpu.memory_space<semaphore_mem>>)
      %dma_wait3A_131 = arith.constant 0 : i32
      %dma_wait3A_132 = tpu.memref_slice %arg5[%arg0, %min3A_125, %dma_wait3A_131] : memref<2x10000x128xf32, #tpu.memory_space<hbm>> -> memref<1x632x128xf32, #tpu.memory_space<hbm>>
      %dma_wait3A_133 = tpu.memref_squeeze %dma_wait3A_132 : memref<1x632x128xf32, #tpu.memory_space<hbm>> -> memref<632x128xf32, #tpu.memory_space<hbm>>
      %dma_wait3A_134 = arith.constant 0 : i32
      %dma_wait3A_135 = tpu.memref_slice %arg10[%min3A_121, %dma_wait3A_134] : memref<10000x128xf32, #tpu.memory_space<vmem_shared>> -> memref<632x128xf32, #tpu.memory_space<vmem_shared>>
      tpu.wait_dma2 semaphore(%run_scoped3A : memref<!tpu.dma_semaphore, #tpu.memory_space<semaphore_mem>>) src(%dma_wait3A_135 : memref<632x128xf32, #tpu.memory_space<vmem_shared>>) dst(%dma_wait3A_133 : memref<632x128xf32, #tpu.memory_space<hbm>>)
      tpu.yield
    }) : () -> ()
    return
  }
}

#map = affine_map<(d0, d1) -> (0, 0)>
#map1 = affine_map<(d0, d1) -> (0, 0, 0)>
module attributes {stable_mosaic.version = 14 : i64} {
  func.func @_sc_aggregate(%arg0: i32, %arg1: i32, %arg2: memref<10000x128xf32, #tpu.memory_space<hbm>>, %arg3: memref<4000x2x80xi32, #tpu.memory_space<hbm>>, %arg4: memref<10000x128xf32, #tpu.memory_space<hbm>>, %arg5: memref<2x10000x128xf32, #tpu.memory_space<hbm>>, %arg6: memref<63x2x80xi32, #tpu.memory_space<vmem>>, %arg7: memref<80x128xf32, #tpu.memory_space<vmem>>, %arg8: memref<80x128xf32, #tpu.memory_space<vmem>>, %arg9: memref<80x128xf32, #tpu.memory_space<vmem>>, %arg10: memref<10000x128xf32, #tpu.memory_space<vmem_shared>>, %arg11: memref<!tpu.dma_semaphore, #tpu.memory_space<semaphore_mem>>, %arg12: memref<!tpu.dma_semaphore, #tpu.memory_space<semaphore_mem>>, %arg13: memref<!tpu.dma_semaphore, #tpu.memory_space<semaphore_mem>>, %arg14: memref<!tpu.dma_semaphore, #tpu.memory_space<semaphore_mem>>, %arg15: memref<!tpu.dma_semaphore, #tpu.memory_space<semaphore_mem>>, %arg16: memref<!tpu.dma_semaphore, #tpu.memory_space<semaphore_mem>>) attributes {dimension_semantics = [#tpu.dimension_semantics<core_parallel>, #tpu.dimension_semantics<subcore_parallel>], iteration_bounds = array<i64: 2, 16>, scalar_prefetch = 0 : i64, scratch_operands = 11 : i64, tpu.core_type = #tpu.core_type<sc_vector_subcore>, window_params = [{transform_indices = #map}, {transform_indices = #map1}, {transform_indices = #map}, {transform_indices = #map1}]} {
    %mul3A = arith.constant 2 : i32
    %mul3A_0 = arith.muli %arg1, %mul3A : i32
    %add3A = arith.addi %mul3A_0, %arg0 : i32
    %mul3A_1 = arith.constant 125 : i32
    %mul3A_2 = arith.muli %add3A, %mul3A_1 : i32
    %mul3A_3 = arith.constant 632 : i32
    %mul3A_4 = arith.muli %arg1, %mul3A_3 : i32
    %min3A = arith.constant 9368 : i32
    %min3A_5 = arith.minsi %mul3A_4, %min3A : i32
    %mul3A_6 = arith.constant 632 : i32
    %mul3A_7 = arith.muli %arg1, %mul3A_6 : i32
    %min3A_8 = arith.constant 9368 : i32
    %min3A_9 = arith.minsi %mul3A_7, %min3A_8 : i32
    "tpu.region"() ({
      %run_scoped3A = tpu.sem_alloc : memref<!tpu.dma_semaphore, #tpu.memory_space<semaphore_mem>>
      %dma_start3A_126 = arith.constant 0 : i32
      %dma_start3A_127 = tpu.memref_slice %arg10[%min3A_9, %dma_start3A_126] : memref<10000x128xf32, #tpu.memory_space<vmem_shared>> -> memref<632x128xf32, #tpu.memory_space<vmem_shared>>
      %dma_start3A_128 = arith.constant 0 : i32
      %dma_start3A_129 = tpu.memref_slice %arg4[%min3A_5, %dma_start3A_128] : memref<10000x128xf32, #tpu.memory_space<hbm>> -> memref<632x128xf32, #tpu.memory_space<hbm>>
      tpu.enqueue_dma source(%dma_start3A_129 : memref<632x128xf32, #tpu.memory_space<hbm>>) target(%dma_start3A_127 : memref<632x128xf32, #tpu.memory_space<vmem_shared>>) target_semaphore(%run_scoped3A : memref<!tpu.dma_semaphore, #tpu.memory_space<semaphore_mem>>)
      %dma_wait3A_130 = arith.constant 0 : i32
      %dma_wait3A_131 = tpu.memref_slice %arg10[%min3A_9, %dma_wait3A_130] : memref<10000x128xf32, #tpu.memory_space<vmem_shared>> -> memref<632x128xf32, #tpu.memory_space<vmem_shared>>
      %dma_wait3A_132 = arith.constant 0 : i32
      %dma_wait3A_133 = tpu.memref_slice %arg4[%min3A_5, %dma_wait3A_132] : memref<10000x128xf32, #tpu.memory_space<hbm>> -> memref<632x128xf32, #tpu.memory_space<hbm>>
      tpu.wait_dma2 semaphore(%run_scoped3A : memref<!tpu.dma_semaphore, #tpu.memory_space<semaphore_mem>>) src(%dma_wait3A_133 : memref<632x128xf32, #tpu.memory_space<hbm>>) dst(%dma_wait3A_131 : memref<632x128xf32, #tpu.memory_space<vmem_shared>>)
      tpu.yield
    }) : () -> ()
    %barrier3A = arith.constant 0 : index
    tpu.barrier barrier_id(%barrier3A)
    %add3A_10 = arith.constant 0 : i32
    %add3A_11 = arith.addi %mul3A_2, %add3A_10 : i32
    "tpu.region"() ({
      %run_scoped3A = tpu.sem_alloc : memref<!tpu.dma_semaphore, #tpu.memory_space<semaphore_mem>>
      %dma_start3A_126 = arith.constant 0 : i32
      %dma_start3A_127 = arith.constant 0 : i32
      %dma_start3A_128 = arith.constant 0 : i32
      %dma_start3A_129 = tpu.memref_slice %arg6[%dma_start3A_126, %dma_start3A_127, %dma_start3A_128] : memref<63x2x80xi32, #tpu.memory_space<vmem>> -> memref<63x2x80xi32, #tpu.memory_space<vmem>>
      %dma_start3A_130 = arith.constant 0 : i32
      %dma_start3A_131 = arith.constant 0 : i32
      %dma_start3A_132 = tpu.memref_slice %arg3[%add3A_11, %dma_start3A_130, %dma_start3A_131] : memref<4000x2x80xi32, #tpu.memory_space<hbm>> -> memref<63x2x80xi32, #tpu.memory_space<hbm>>
      %dma_start3A_133 = arith.constant 0 : i32
      %dma_start3A_134 = arith.constant 0 : i32
      %dma_start3A_135 = arith.constant 0 : i32
      %dma_start3A_136 = tpu.memref_slice %arg6[%dma_start3A_133, %dma_start3A_134, %dma_start3A_135] : memref<63x2x80xi32, #tpu.memory_space<vmem>> -> memref<63x2x80xi32, #tpu.memory_space<vmem>>
      %dma_start3A_137 = arith.constant 0 : i32
      %dma_start3A_138 = arith.constant 0 : i32
      %dma_start3A_139 = tpu.memref_slice %arg3[%add3A_11, %dma_start3A_137, %dma_start3A_138] : memref<4000x2x80xi32, #tpu.memory_space<hbm>> -> memref<63x2x80xi32, #tpu.memory_space<hbm>>
      tpu.enqueue_dma source(%dma_start3A_139 : memref<63x2x80xi32, #tpu.memory_space<hbm>>) target(%dma_start3A_136 : memref<63x2x80xi32, #tpu.memory_space<vmem>>) target_semaphore(%run_scoped3A : memref<!tpu.dma_semaphore, #tpu.memory_space<semaphore_mem>>)
      %dma_wait3A_140 = arith.constant 0 : i32
      %dma_wait3A_141 = arith.constant 0 : i32
      %dma_wait3A_142 = arith.constant 0 : i32
      %dma_wait3A_143 = tpu.memref_slice %arg6[%dma_wait3A_140, %dma_wait3A_141, %dma_wait3A_142] : memref<63x2x80xi32, #tpu.memory_space<vmem>> -> memref<63x2x80xi32, #tpu.memory_space<vmem>>
      %dma_wait3A_144 = arith.constant 0 : i32
      %dma_wait3A_145 = arith.constant 0 : i32
      %dma_wait3A_146 = tpu.memref_slice %arg3[%add3A_11, %dma_wait3A_144, %dma_wait3A_145] : memref<4000x2x80xi32, #tpu.memory_space<hbm>> -> memref<63x2x80xi32, #tpu.memory_space<hbm>>
      %dma_wait3A_147 = arith.constant 0 : i32
      %dma_wait3A_148 = arith.constant 0 : i32
      %dma_wait3A_149 = arith.constant 0 : i32
      %dma_wait3A_150 = tpu.memref_slice %arg6[%dma_wait3A_147, %dma_wait3A_148, %dma_wait3A_149] : memref<63x2x80xi32, #tpu.memory_space<vmem>> -> memref<63x2x80xi32, #tpu.memory_space<vmem>>
      %dma_wait3A_151 = arith.constant 0 : i32
      %dma_wait3A_152 = arith.constant 0 : i32
      %dma_wait3A_153 = tpu.memref_slice %arg3[%add3A_11, %dma_wait3A_151, %dma_wait3A_152] : memref<4000x2x80xi32, #tpu.memory_space<hbm>> -> memref<63x2x80xi32, #tpu.memory_space<hbm>>
      tpu.wait_dma2 semaphore(%run_scoped3A : memref<!tpu.dma_semaphore, #tpu.memory_space<semaphore_mem>>) src(%dma_wait3A_153 : memref<63x2x80xi32, #tpu.memory_space<hbm>>) dst(%dma_wait3A_150 : memref<63x2x80xi32, #tpu.memory_space<vmem>>)
      tpu.yield
    }) : () -> ()
    %dma_start3A = arith.constant 0 : i32
    %dma_start3A_12 = arith.constant 0 : i32
    %dma_start3A_13 = arith.constant 0 : i32
    %dma_start3A_14 = tpu.memref_slice %arg6[%dma_start3A, %dma_start3A_12, %dma_start3A_13] : memref<63x2x80xi32, #tpu.memory_space<vmem>> -> memref<1x1x80xi32, #tpu.memory_space<vmem>>
    %dma_start3A_15 = tpu.memref_squeeze %dma_start3A_14 : memref<1x1x80xi32, #tpu.memory_space<vmem>> -> memref<80xi32, #tpu.memory_space<vmem>>
    %dma_start3A_16 = arith.constant 0 : i32
    %dma_start3A_17 = arith.constant 0 : i32
    %dma_start3A_18 = tpu.memref_slice %arg2[%dma_start3A_16, %dma_start3A_17] : memref<10000x128xf32, #tpu.memory_space<hbm>> -> memref<10000x128xf32, #tpu.memory_space<hbm>>
    tpu.enqueue_indirect_dma source(%dma_start3A_18 : memref<10000x128xf32, #tpu.memory_space<hbm>>) target(%arg7 : memref<80x128xf32, #tpu.memory_space<vmem>>) offsets(%dma_start3A_15 : memref<80xi32, #tpu.memory_space<vmem>>) semaphore(%arg11 : memref<!tpu.dma_semaphore, #tpu.memory_space<semaphore_mem>>)
    %dma_start3A_19 = arith.constant 1 : i32
    %dma_start3A_20 = arith.constant 0 : i32
    %dma_start3A_21 = arith.constant 0 : i32
    %dma_start3A_22 = tpu.memref_slice %arg6[%dma_start3A_19, %dma_start3A_20, %dma_start3A_21] : memref<63x2x80xi32, #tpu.memory_space<vmem>> -> memref<1x1x80xi32, #tpu.memory_space<vmem>>
    %dma_start3A_23 = tpu.memref_squeeze %dma_start3A_22 : memref<1x1x80xi32, #tpu.memory_space<vmem>> -> memref<80xi32, #tpu.memory_space<vmem>>
    %dma_start3A_24 = arith.constant 0 : i32
    %dma_start3A_25 = arith.constant 0 : i32
    %dma_start3A_26 = tpu.memref_slice %arg2[%dma_start3A_24, %dma_start3A_25] : memref<10000x128xf32, #tpu.memory_space<hbm>> -> memref<10000x128xf32, #tpu.memory_space<hbm>>
    tpu.enqueue_indirect_dma source(%dma_start3A_26 : memref<10000x128xf32, #tpu.memory_space<hbm>>) target(%arg8 : memref<80x128xf32, #tpu.memory_space<vmem>>) offsets(%dma_start3A_23 : memref<80xi32, #tpu.memory_space<vmem>>) semaphore(%arg12 : memref<!tpu.dma_semaphore, #tpu.memory_space<semaphore_mem>>)
    %dma_start3A_27 = arith.constant 2 : i32
    %dma_start3A_28 = arith.constant 0 : i32
    %dma_start3A_29 = arith.constant 0 : i32
    %dma_start3A_30 = tpu.memref_slice %arg6[%dma_start3A_27, %dma_start3A_28, %dma_start3A_29] : memref<63x2x80xi32, #tpu.memory_space<vmem>> -> memref<1x1x80xi32, #tpu.memory_space<vmem>>
    %dma_start3A_31 = tpu.memref_squeeze %dma_start3A_30 : memref<1x1x80xi32, #tpu.memory_space<vmem>> -> memref<80xi32, #tpu.memory_space<vmem>>
    %dma_start3A_32 = arith.constant 0 : i32
    %dma_start3A_33 = arith.constant 0 : i32
    %dma_start3A_34 = tpu.memref_slice %arg2[%dma_start3A_32, %dma_start3A_33] : memref<10000x128xf32, #tpu.memory_space<hbm>> -> memref<10000x128xf32, #tpu.memory_space<hbm>>
    tpu.enqueue_indirect_dma source(%dma_start3A_34 : memref<10000x128xf32, #tpu.memory_space<hbm>>) target(%arg9 : memref<80x128xf32, #tpu.memory_space<vmem>>) offsets(%dma_start3A_31 : memref<80xi32, #tpu.memory_space<vmem>>) semaphore(%arg13 : memref<!tpu.dma_semaphore, #tpu.memory_space<semaphore_mem>>)
    %scan3A = arith.constant 0 : i32
    %scan3A_35 = arith.constant 21 : i32
    %scan3A_36 = arith.addi %scan3A, %scan3A_35 : i32
    %scan3A_37 = arith.constant 1 : i32
    scf.for %scan3A_126 = %scan3A to %scan3A_36 step %scan3A_37  : i32 {
      %mul3A_127 = arith.constant 3 : i32
      %mul3A_128 = arith.muli %scan3A_126, %mul3A_127 : i32
      %add3A_129 = arith.constant 0 : i32
      %add3A_130 = arith.addi %add3A_129, %mul3A_128 : i32
      %add3A_131 = arith.constant 0 : i32
      %add3A_132 = arith.addi %add3A_130, %add3A_131 : i32
      %lt3A = arith.constant 63 : i32
      %lt3A_133 = arith.cmpi slt, %add3A_132, %lt3A : i32
      %convert_element_type3A = arith.extui %lt3A_133 : i1 to i32
      %cond3A = arith.constant 0 : i32
      %cond3A_134 = arith.cmpi ne, %convert_element_type3A, %cond3A : i32
      scf.if %cond3A_134 {
        %add3A_176 = arith.constant 0 : i32
        %add3A_177 = arith.addi %add3A_130, %add3A_176 : i32
        %dma_wait3A_178 = arith.constant 0 : i32
        %dma_wait3A_179 = arith.constant 0 : i32
        %dma_wait3A_180 = tpu.memref_slice %arg6[%add3A_177, %dma_wait3A_178, %dma_wait3A_179] : memref<63x2x80xi32, #tpu.memory_space<vmem>> -> memref<1x1x80xi32, #tpu.memory_space<vmem>>
        %dma_wait3A_181 = tpu.memref_squeeze %dma_wait3A_180 : memref<1x1x80xi32, #tpu.memory_space<vmem>> -> memref<80xi32, #tpu.memory_space<vmem>>
        %dma_wait3A_182 = arith.constant 0 : i32
        %dma_wait3A_183 = arith.constant 0 : i32
        %dma_wait3A_184 = tpu.memref_slice %arg2[%dma_wait3A_182, %dma_wait3A_183] : memref<10000x128xf32, #tpu.memory_space<hbm>> -> memref<10000x128xf32, #tpu.memory_space<hbm>>
        tpu.wait_indirect_dma semaphore(%arg11 : memref<!tpu.dma_semaphore, #tpu.memory_space<semaphore_mem>>) src(%dma_wait3A_184 : memref<10000x128xf32, #tpu.memory_space<hbm>>) dst(%arg7 : memref<80x128xf32, #tpu.memory_space<vmem>>)
        %add3A_185 = arith.constant 0 : i32
        %add3A_186 = arith.addi %add3A_130, %add3A_185 : i32
        %dma_start3A_187 = arith.constant 1 : i32
        %dma_start3A_188 = arith.constant 0 : i32
        %dma_start3A_189 = tpu.memref_slice %arg6[%add3A_186, %dma_start3A_187, %dma_start3A_188] : memref<63x2x80xi32, #tpu.memory_space<vmem>> -> memref<1x1x80xi32, #tpu.memory_space<vmem>>
        %dma_start3A_190 = tpu.memref_squeeze %dma_start3A_189 : memref<1x1x80xi32, #tpu.memory_space<vmem>> -> memref<80xi32, #tpu.memory_space<vmem>>
        %dma_start3A_191 = arith.constant 0 : i32
        %dma_start3A_192 = arith.constant 0 : i32
        %dma_start3A_193 = tpu.memref_slice %arg10[%dma_start3A_191, %dma_start3A_192] : memref<10000x128xf32, #tpu.memory_space<vmem_shared>> -> memref<10000x128xf32, #tpu.memory_space<vmem_shared>>
        tpu.enqueue_indirect_dma source(%arg7 : memref<80x128xf32, #tpu.memory_space<vmem>>) target(%dma_start3A_193 : memref<10000x128xf32, #tpu.memory_space<vmem_shared>>) offsets(%dma_start3A_190 : memref<80xi32, #tpu.memory_space<vmem>>) semaphore(%arg14 : memref<!tpu.dma_semaphore, #tpu.memory_space<semaphore_mem>>) {add = true}
      } else {
      }
      %add3A_135 = arith.constant 1 : i32
      %add3A_136 = arith.addi %add3A_130, %add3A_135 : i32
      %lt3A_137 = arith.constant 63 : i32
      %lt3A_138 = arith.cmpi slt, %add3A_136, %lt3A_137 : i32
      %convert_element_type3A_139 = arith.extui %lt3A_138 : i1 to i32
      %cond3A_140 = arith.constant 0 : i32
      %cond3A_141 = arith.cmpi ne, %convert_element_type3A_139, %cond3A_140 : i32
      scf.if %cond3A_141 {
        %add3A_176 = arith.constant 1 : i32
        %add3A_177 = arith.addi %add3A_130, %add3A_176 : i32
        %dma_wait3A_178 = arith.constant 0 : i32
        %dma_wait3A_179 = arith.constant 0 : i32
        %dma_wait3A_180 = tpu.memref_slice %arg6[%add3A_177, %dma_wait3A_178, %dma_wait3A_179] : memref<63x2x80xi32, #tpu.memory_space<vmem>> -> memref<1x1x80xi32, #tpu.memory_space<vmem>>
        %dma_wait3A_181 = tpu.memref_squeeze %dma_wait3A_180 : memref<1x1x80xi32, #tpu.memory_space<vmem>> -> memref<80xi32, #tpu.memory_space<vmem>>
        %dma_wait3A_182 = arith.constant 0 : i32
        %dma_wait3A_183 = arith.constant 0 : i32
        %dma_wait3A_184 = tpu.memref_slice %arg2[%dma_wait3A_182, %dma_wait3A_183] : memref<10000x128xf32, #tpu.memory_space<hbm>> -> memref<10000x128xf32, #tpu.memory_space<hbm>>
        tpu.wait_indirect_dma semaphore(%arg12 : memref<!tpu.dma_semaphore, #tpu.memory_space<semaphore_mem>>) src(%dma_wait3A_184 : memref<10000x128xf32, #tpu.memory_space<hbm>>) dst(%arg8 : memref<80x128xf32, #tpu.memory_space<vmem>>)
        %add3A_185 = arith.constant 1 : i32
        %add3A_186 = arith.addi %add3A_130, %add3A_185 : i32
        %dma_start3A_187 = arith.constant 1 : i32
        %dma_start3A_188 = arith.constant 0 : i32
        %dma_start3A_189 = tpu.memref_slice %arg6[%add3A_186, %dma_start3A_187, %dma_start3A_188] : memref<63x2x80xi32, #tpu.memory_space<vmem>> -> memref<1x1x80xi32, #tpu.memory_space<vmem>>
        %dma_start3A_190 = tpu.memref_squeeze %dma_start3A_189 : memref<1x1x80xi32, #tpu.memory_space<vmem>> -> memref<80xi32, #tpu.memory_space<vmem>>
        %dma_start3A_191 = arith.constant 0 : i32
        %dma_start3A_192 = arith.constant 0 : i32
        %dma_start3A_193 = tpu.memref_slice %arg10[%dma_start3A_191, %dma_start3A_192] : memref<10000x128xf32, #tpu.memory_space<vmem_shared>> -> memref<10000x128xf32, #tpu.memory_space<vmem_shared>>
        tpu.enqueue_indirect_dma source(%arg8 : memref<80x128xf32, #tpu.memory_space<vmem>>) target(%dma_start3A_193 : memref<10000x128xf32, #tpu.memory_space<vmem_shared>>) offsets(%dma_start3A_190 : memref<80xi32, #tpu.memory_space<vmem>>) semaphore(%arg15 : memref<!tpu.dma_semaphore, #tpu.memory_space<semaphore_mem>>) {add = true}
      } else {
      }
      %add3A_142 = arith.constant 2 : i32
      %add3A_143 = arith.addi %add3A_130, %add3A_142 : i32
      %lt3A_144 = arith.constant 63 : i32
      %lt3A_145 = arith.cmpi slt, %add3A_143, %lt3A_144 : i32
      %convert_element_type3A_146 = arith.extui %lt3A_145 : i1 to i32
      %cond3A_147 = arith.constant 0 : i32
      %cond3A_148 = arith.cmpi ne, %convert_element_type3A_146, %cond3A_147 : i32
      scf.if %cond3A_148 {
        %add3A_176 = arith.constant 2 : i32
        %add3A_177 = arith.addi %add3A_130, %add3A_176 : i32
        %dma_wait3A_178 = arith.constant 0 : i32
        %dma_wait3A_179 = arith.constant 0 : i32
        %dma_wait3A_180 = tpu.memref_slice %arg6[%add3A_177, %dma_wait3A_178, %dma_wait3A_179] : memref<63x2x80xi32, #tpu.memory_space<vmem>> -> memref<1x1x80xi32, #tpu.memory_space<vmem>>
        %dma_wait3A_181 = tpu.memref_squeeze %dma_wait3A_180 : memref<1x1x80xi32, #tpu.memory_space<vmem>> -> memref<80xi32, #tpu.memory_space<vmem>>
        %dma_wait3A_182 = arith.constant 0 : i32
        %dma_wait3A_183 = arith.constant 0 : i32
        %dma_wait3A_184 = tpu.memref_slice %arg2[%dma_wait3A_182, %dma_wait3A_183] : memref<10000x128xf32, #tpu.memory_space<hbm>> -> memref<10000x128xf32, #tpu.memory_space<hbm>>
        tpu.wait_indirect_dma semaphore(%arg13 : memref<!tpu.dma_semaphore, #tpu.memory_space<semaphore_mem>>) src(%dma_wait3A_184 : memref<10000x128xf32, #tpu.memory_space<hbm>>) dst(%arg9 : memref<80x128xf32, #tpu.memory_space<vmem>>)
        %add3A_185 = arith.constant 2 : i32
        %add3A_186 = arith.addi %add3A_130, %add3A_185 : i32
        %dma_start3A_187 = arith.constant 1 : i32
        %dma_start3A_188 = arith.constant 0 : i32
        %dma_start3A_189 = tpu.memref_slice %arg6[%add3A_186, %dma_start3A_187, %dma_start3A_188] : memref<63x2x80xi32, #tpu.memory_space<vmem>> -> memref<1x1x80xi32, #tpu.memory_space<vmem>>
        %dma_start3A_190 = tpu.memref_squeeze %dma_start3A_189 : memref<1x1x80xi32, #tpu.memory_space<vmem>> -> memref<80xi32, #tpu.memory_space<vmem>>
        %dma_start3A_191 = arith.constant 0 : i32
        %dma_start3A_192 = arith.constant 0 : i32
        %dma_start3A_193 = tpu.memref_slice %arg10[%dma_start3A_191, %dma_start3A_192] : memref<10000x128xf32, #tpu.memory_space<vmem_shared>> -> memref<10000x128xf32, #tpu.memory_space<vmem_shared>>
        tpu.enqueue_indirect_dma source(%arg9 : memref<80x128xf32, #tpu.memory_space<vmem>>) target(%dma_start3A_193 : memref<10000x128xf32, #tpu.memory_space<vmem_shared>>) offsets(%dma_start3A_190 : memref<80xi32, #tpu.memory_space<vmem>>) semaphore(%arg16 : memref<!tpu.dma_semaphore, #tpu.memory_space<semaphore_mem>>) {add = true}
      } else {
      }
      %add3A_149 = arith.constant 0 : i32
      %add3A_150 = arith.addi %add3A_130, %add3A_149 : i32
      %add3A_151 = arith.constant 3 : i32
      %add3A_152 = arith.addi %add3A_150, %add3A_151 : i32
      %lt3A_153 = arith.constant 63 : i32
      %lt3A_154 = arith.cmpi slt, %add3A_152, %lt3A_153 : i32
      %convert_element_type3A_155 = arith.extui %lt3A_154 : i1 to i32
      %cond3A_156 = arith.constant 0 : i32
      %cond3A_157 = arith.cmpi ne, %convert_element_type3A_155, %cond3A_156 : i32
      scf.if %cond3A_157 {
        %add3A_176 = arith.constant 0 : i32
        %add3A_177 = arith.addi %add3A_130, %add3A_176 : i32
        %dma_wait3A_178 = arith.constant 1 : i32
        %dma_wait3A_179 = arith.constant 0 : i32
        %dma_wait3A_180 = tpu.memref_slice %arg6[%add3A_177, %dma_wait3A_178, %dma_wait3A_179] : memref<63x2x80xi32, #tpu.memory_space<vmem>> -> memref<1x1x80xi32, #tpu.memory_space<vmem>>
        %dma_wait3A_181 = tpu.memref_squeeze %dma_wait3A_180 : memref<1x1x80xi32, #tpu.memory_space<vmem>> -> memref<80xi32, #tpu.memory_space<vmem>>
        %dma_wait3A_182 = arith.constant 0 : i32
        %dma_wait3A_183 = arith.constant 0 : i32
        %dma_wait3A_184 = tpu.memref_slice %arg10[%dma_wait3A_182, %dma_wait3A_183] : memref<10000x128xf32, #tpu.memory_space<vmem_shared>> -> memref<10000x128xf32, #tpu.memory_space<vmem_shared>>
        tpu.wait_indirect_dma semaphore(%arg14 : memref<!tpu.dma_semaphore, #tpu.memory_space<semaphore_mem>>) src(%arg7 : memref<80x128xf32, #tpu.memory_space<vmem>>) dst(%dma_wait3A_184 : memref<10000x128xf32, #tpu.memory_space<vmem_shared>>)
        %add3A_185 = arith.constant 0 : i32
        %add3A_186 = arith.addi %add3A_130, %add3A_185 : i32
        %add3A_187 = arith.constant 3 : i32
        %add3A_188 = arith.addi %add3A_186, %add3A_187 : i32
        %dma_start3A_189 = arith.constant 0 : i32
        %dma_start3A_190 = arith.constant 0 : i32
        %dma_start3A_191 = tpu.memref_slice %arg6[%add3A_188, %dma_start3A_189, %dma_start3A_190] : memref<63x2x80xi32, #tpu.memory_space<vmem>> -> memref<1x1x80xi32, #tpu.memory_space<vmem>>
        %dma_start3A_192 = tpu.memref_squeeze %dma_start3A_191 : memref<1x1x80xi32, #tpu.memory_space<vmem>> -> memref<80xi32, #tpu.memory_space<vmem>>
        %dma_start3A_193 = arith.constant 0 : i32
        %dma_start3A_194 = arith.constant 0 : i32
        %dma_start3A_195 = tpu.memref_slice %arg2[%dma_start3A_193, %dma_start3A_194] : memref<10000x128xf32, #tpu.memory_space<hbm>> -> memref<10000x128xf32, #tpu.memory_space<hbm>>
        tpu.enqueue_indirect_dma source(%dma_start3A_195 : memref<10000x128xf32, #tpu.memory_space<hbm>>) target(%arg7 : memref<80x128xf32, #tpu.memory_space<vmem>>) offsets(%dma_start3A_192 : memref<80xi32, #tpu.memory_space<vmem>>) semaphore(%arg11 : memref<!tpu.dma_semaphore, #tpu.memory_space<semaphore_mem>>)
      } else {
      }
      %add3A_158 = arith.constant 1 : i32
      %add3A_159 = arith.addi %add3A_130, %add3A_158 : i32
      %add3A_160 = arith.constant 3 : i32
      %add3A_161 = arith.addi %add3A_159, %add3A_160 : i32
      %lt3A_162 = arith.constant 63 : i32
      %lt3A_163 = arith.cmpi slt, %add3A_161, %lt3A_162 : i32
      %convert_element_type3A_164 = arith.extui %lt3A_163 : i1 to i32
      %cond3A_165 = arith.constant 0 : i32
      %cond3A_166 = arith.cmpi ne, %convert_element_type3A_164, %cond3A_165 : i32
      scf.if %cond3A_166 {
        %add3A_176 = arith.constant 1 : i32
        %add3A_177 = arith.addi %add3A_130, %add3A_176 : i32
        %dma_wait3A_178 = arith.constant 1 : i32
        %dma_wait3A_179 = arith.constant 0 : i32
        %dma_wait3A_180 = tpu.memref_slice %arg6[%add3A_177, %dma_wait3A_178, %dma_wait3A_179] : memref<63x2x80xi32, #tpu.memory_space<vmem>> -> memref<1x1x80xi32, #tpu.memory_space<vmem>>
        %dma_wait3A_181 = tpu.memref_squeeze %dma_wait3A_180 : memref<1x1x80xi32, #tpu.memory_space<vmem>> -> memref<80xi32, #tpu.memory_space<vmem>>
        %dma_wait3A_182 = arith.constant 0 : i32
        %dma_wait3A_183 = arith.constant 0 : i32
        %dma_wait3A_184 = tpu.memref_slice %arg10[%dma_wait3A_182, %dma_wait3A_183] : memref<10000x128xf32, #tpu.memory_space<vmem_shared>> -> memref<10000x128xf32, #tpu.memory_space<vmem_shared>>
        tpu.wait_indirect_dma semaphore(%arg15 : memref<!tpu.dma_semaphore, #tpu.memory_space<semaphore_mem>>) src(%arg8 : memref<80x128xf32, #tpu.memory_space<vmem>>) dst(%dma_wait3A_184 : memref<10000x128xf32, #tpu.memory_space<vmem_shared>>)
        %add3A_185 = arith.constant 1 : i32
        %add3A_186 = arith.addi %add3A_130, %add3A_185 : i32
        %add3A_187 = arith.constant 3 : i32
        %add3A_188 = arith.addi %add3A_186, %add3A_187 : i32
        %dma_start3A_189 = arith.constant 0 : i32
        %dma_start3A_190 = arith.constant 0 : i32
        %dma_start3A_191 = tpu.memref_slice %arg6[%add3A_188, %dma_start3A_189, %dma_start3A_190] : memref<63x2x80xi32, #tpu.memory_space<vmem>> -> memref<1x1x80xi32, #tpu.memory_space<vmem>>
        %dma_start3A_192 = tpu.memref_squeeze %dma_start3A_191 : memref<1x1x80xi32, #tpu.memory_space<vmem>> -> memref<80xi32, #tpu.memory_space<vmem>>
        %dma_start3A_193 = arith.constant 0 : i32
        %dma_start3A_194 = arith.constant 0 : i32
        %dma_start3A_195 = tpu.memref_slice %arg2[%dma_start3A_193, %dma_start3A_194] : memref<10000x128xf32, #tpu.memory_space<hbm>> -> memref<10000x128xf32, #tpu.memory_space<hbm>>
        tpu.enqueue_indirect_dma source(%dma_start3A_195 : memref<10000x128xf32, #tpu.memory_space<hbm>>) target(%arg8 : memref<80x128xf32, #tpu.memory_space<vmem>>) offsets(%dma_start3A_192 : memref<80xi32, #tpu.memory_space<vmem>>) semaphore(%arg12 : memref<!tpu.dma_semaphore, #tpu.memory_space<semaphore_mem>>)
      } else {
      }
      %add3A_167 = arith.constant 2 : i32
      %add3A_168 = arith.addi %add3A_130, %add3A_167 : i32
      %add3A_169 = arith.constant 3 : i32
      %add3A_170 = arith.addi %add3A_168, %add3A_169 : i32
      %lt3A_171 = arith.constant 63 : i32
      %lt3A_172 = arith.cmpi slt, %add3A_170, %lt3A_171 : i32
      %convert_element_type3A_173 = arith.extui %lt3A_172 : i1 to i32
      %cond3A_174 = arith.constant 0 : i32
      %cond3A_175 = arith.cmpi ne, %convert_element_type3A_173, %cond3A_174 : i32
      scf.if %cond3A_175 {
        %add3A_176 = arith.constant 2 : i32
        %add3A_177 = arith.addi %add3A_130, %add3A_176 : i32
        %dma_wait3A_178 = arith.constant 1 : i32
        %dma_wait3A_179 = arith.constant 0 : i32
        %dma_wait3A_180 = tpu.memref_slice %arg6[%add3A_177, %dma_wait3A_178, %dma_wait3A_179] : memref<63x2x80xi32, #tpu.memory_space<vmem>> -> memref<1x1x80xi32, #tpu.memory_space<vmem>>
        %dma_wait3A_181 = tpu.memref_squeeze %dma_wait3A_180 : memref<1x1x80xi32, #tpu.memory_space<vmem>> -> memref<80xi32, #tpu.memory_space<vmem>>
        %dma_wait3A_182 = arith.constant 0 : i32
        %dma_wait3A_183 = arith.constant 0 : i32
        %dma_wait3A_184 = tpu.memref_slice %arg10[%dma_wait3A_182, %dma_wait3A_183] : memref<10000x128xf32, #tpu.memory_space<vmem_shared>> -> memref<10000x128xf32, #tpu.memory_space<vmem_shared>>
        tpu.wait_indirect_dma semaphore(%arg16 : memref<!tpu.dma_semaphore, #tpu.memory_space<semaphore_mem>>) src(%arg9 : memref<80x128xf32, #tpu.memory_space<vmem>>) dst(%dma_wait3A_184 : memref<10000x128xf32, #tpu.memory_space<vmem_shared>>)
        %add3A_185 = arith.constant 2 : i32
        %add3A_186 = arith.addi %add3A_130, %add3A_185 : i32
        %add3A_187 = arith.constant 3 : i32
        %add3A_188 = arith.addi %add3A_186, %add3A_187 : i32
        %dma_start3A_189 = arith.constant 0 : i32
        %dma_start3A_190 = arith.constant 0 : i32
        %dma_start3A_191 = tpu.memref_slice %arg6[%add3A_188, %dma_start3A_189, %dma_start3A_190] : memref<63x2x80xi32, #tpu.memory_space<vmem>> -> memref<1x1x80xi32, #tpu.memory_space<vmem>>
        %dma_start3A_192 = tpu.memref_squeeze %dma_start3A_191 : memref<1x1x80xi32, #tpu.memory_space<vmem>> -> memref<80xi32, #tpu.memory_space<vmem>>
        %dma_start3A_193 = arith.constant 0 : i32
        %dma_start3A_194 = arith.constant 0 : i32
        %dma_start3A_195 = tpu.memref_slice %arg2[%dma_start3A_193, %dma_start3A_194] : memref<10000x128xf32, #tpu.memory_space<hbm>> -> memref<10000x128xf32, #tpu.memory_space<hbm>>
        tpu.enqueue_indirect_dma source(%dma_start3A_195 : memref<10000x128xf32, #tpu.memory_space<hbm>>) target(%arg9 : memref<80x128xf32, #tpu.memory_space<vmem>>) offsets(%dma_start3A_192 : memref<80xi32, #tpu.memory_space<vmem>>) semaphore(%arg13 : memref<!tpu.dma_semaphore, #tpu.memory_space<semaphore_mem>>)
      } else {
      }
    }
    %scan3A_38 = arith.constant 21 : i32
    %dma_wait3A = arith.constant 60 : i32
    %dma_wait3A_39 = arith.constant 1 : i32
    %dma_wait3A_40 = arith.constant 0 : i32
    %dma_wait3A_41 = tpu.memref_slice %arg6[%dma_wait3A, %dma_wait3A_39, %dma_wait3A_40] : memref<63x2x80xi32, #tpu.memory_space<vmem>> -> memref<1x1x80xi32, #tpu.memory_space<vmem>>
    %dma_wait3A_42 = tpu.memref_squeeze %dma_wait3A_41 : memref<1x1x80xi32, #tpu.memory_space<vmem>> -> memref<80xi32, #tpu.memory_space<vmem>>
    %dma_wait3A_43 = arith.constant 0 : i32
    %dma_wait3A_44 = arith.constant 0 : i32
    %dma_wait3A_45 = tpu.memref_slice %arg10[%dma_wait3A_43, %dma_wait3A_44] : memref<10000x128xf32, #tpu.memory_space<vmem_shared>> -> memref<10000x128xf32, #tpu.memory_space<vmem_shared>>
    tpu.wait_indirect_dma semaphore(%arg14 : memref<!tpu.dma_semaphore, #tpu.memory_space<semaphore_mem>>) src(%arg7 : memref<80x128xf32, #tpu.memory_space<vmem>>) dst(%dma_wait3A_45 : memref<10000x128xf32, #tpu.memory_space<vmem_shared>>)
    %dma_wait3A_46 = arith.constant 61 : i32
    %dma_wait3A_47 = arith.constant 1 : i32
    %dma_wait3A_48 = arith.constant 0 : i32
    %dma_wait3A_49 = tpu.memref_slice %arg6[%dma_wait3A_46, %dma_wait3A_47, %dma_wait3A_48] : memref<63x2x80xi32, #tpu.memory_space<vmem>> -> memref<1x1x80xi32, #tpu.memory_space<vmem>>
    %dma_wait3A_50 = tpu.memref_squeeze %dma_wait3A_49 : memref<1x1x80xi32, #tpu.memory_space<vmem>> -> memref<80xi32, #tpu.memory_space<vmem>>
    %dma_wait3A_51 = arith.constant 0 : i32
    %dma_wait3A_52 = arith.constant 0 : i32
    %dma_wait3A_53 = tpu.memref_slice %arg10[%dma_wait3A_51, %dma_wait3A_52] : memref<10000x128xf32, #tpu.memory_space<vmem_shared>> -> memref<10000x128xf32, #tpu.memory_space<vmem_shared>>
    tpu.wait_indirect_dma semaphore(%arg15 : memref<!tpu.dma_semaphore, #tpu.memory_space<semaphore_mem>>) src(%arg8 : memref<80x128xf32, #tpu.memory_space<vmem>>) dst(%dma_wait3A_53 : memref<10000x128xf32, #tpu.memory_space<vmem_shared>>)
    %dma_wait3A_54 = arith.constant 62 : i32
    %dma_wait3A_55 = arith.constant 1 : i32
    %dma_wait3A_56 = arith.constant 0 : i32
    %dma_wait3A_57 = tpu.memref_slice %arg6[%dma_wait3A_54, %dma_wait3A_55, %dma_wait3A_56] : memref<63x2x80xi32, #tpu.memory_space<vmem>> -> memref<1x1x80xi32, #tpu.memory_space<vmem>>
    %dma_wait3A_58 = tpu.memref_squeeze %dma_wait3A_57 : memref<1x1x80xi32, #tpu.memory_space<vmem>> -> memref<80xi32, #tpu.memory_space<vmem>>
    %dma_wait3A_59 = arith.constant 0 : i32
    %dma_wait3A_60 = arith.constant 0 : i32
    %dma_wait3A_61 = tpu.memref_slice %arg10[%dma_wait3A_59, %dma_wait3A_60] : memref<10000x128xf32, #tpu.memory_space<vmem_shared>> -> memref<10000x128xf32, #tpu.memory_space<vmem_shared>>
    tpu.wait_indirect_dma semaphore(%arg16 : memref<!tpu.dma_semaphore, #tpu.memory_space<semaphore_mem>>) src(%arg9 : memref<80x128xf32, #tpu.memory_space<vmem>>) dst(%dma_wait3A_61 : memref<10000x128xf32, #tpu.memory_space<vmem_shared>>)
    %add3A_62 = arith.constant 63 : i32
    %add3A_63 = arith.addi %mul3A_2, %add3A_62 : i32
    "tpu.region"() ({
      %run_scoped3A = tpu.sem_alloc : memref<!tpu.dma_semaphore, #tpu.memory_space<semaphore_mem>>
      %dma_start3A_126 = arith.constant 0 : i32
      %dma_start3A_127 = arith.constant 0 : i32
      %dma_start3A_128 = arith.constant 0 : i32
      %dma_start3A_129 = tpu.memref_slice %arg6[%dma_start3A_126, %dma_start3A_127, %dma_start3A_128] : memref<63x2x80xi32, #tpu.memory_space<vmem>> -> memref<62x2x80xi32, #tpu.memory_space<vmem>>
      %dma_start3A_130 = arith.constant 0 : i32
      %dma_start3A_131 = arith.constant 0 : i32
      %dma_start3A_132 = tpu.memref_slice %arg3[%add3A_63, %dma_start3A_130, %dma_start3A_131] : memref<4000x2x80xi32, #tpu.memory_space<hbm>> -> memref<62x2x80xi32, #tpu.memory_space<hbm>>
      %dma_start3A_133 = arith.constant 0 : i32
      %dma_start3A_134 = arith.constant 0 : i32
      %dma_start3A_135 = arith.constant 0 : i32
      %dma_start3A_136 = tpu.memref_slice %arg6[%dma_start3A_133, %dma_start3A_134, %dma_start3A_135] : memref<63x2x80xi32, #tpu.memory_space<vmem>> -> memref<62x2x80xi32, #tpu.memory_space<vmem>>
      %dma_start3A_137 = arith.constant 0 : i32
      %dma_start3A_138 = arith.constant 0 : i32
      %dma_start3A_139 = tpu.memref_slice %arg3[%add3A_63, %dma_start3A_137, %dma_start3A_138] : memref<4000x2x80xi32, #tpu.memory_space<hbm>> -> memref<62x2x80xi32, #tpu.memory_space<hbm>>
      tpu.enqueue_dma source(%dma_start3A_139 : memref<62x2x80xi32, #tpu.memory_space<hbm>>) target(%dma_start3A_136 : memref<62x2x80xi32, #tpu.memory_space<vmem>>) target_semaphore(%run_scoped3A : memref<!tpu.dma_semaphore, #tpu.memory_space<semaphore_mem>>)
      %dma_wait3A_140 = arith.constant 0 : i32
      %dma_wait3A_141 = arith.constant 0 : i32
      %dma_wait3A_142 = arith.constant 0 : i32
      %dma_wait3A_143 = tpu.memref_slice %arg6[%dma_wait3A_140, %dma_wait3A_141, %dma_wait3A_142] : memref<63x2x80xi32, #tpu.memory_space<vmem>> -> memref<62x2x80xi32, #tpu.memory_space<vmem>>
      %dma_wait3A_144 = arith.constant 0 : i32
      %dma_wait3A_145 = arith.constant 0 : i32
      %dma_wait3A_146 = tpu.memref_slice %arg3[%add3A_63, %dma_wait3A_144, %dma_wait3A_145] : memref<4000x2x80xi32, #tpu.memory_space<hbm>> -> memref<62x2x80xi32, #tpu.memory_space<hbm>>
      %dma_wait3A_147 = arith.constant 0 : i32
      %dma_wait3A_148 = arith.constant 0 : i32
      %dma_wait3A_149 = arith.constant 0 : i32
      %dma_wait3A_150 = tpu.memref_slice %arg6[%dma_wait3A_147, %dma_wait3A_148, %dma_wait3A_149] : memref<63x2x80xi32, #tpu.memory_space<vmem>> -> memref<62x2x80xi32, #tpu.memory_space<vmem>>
      %dma_wait3A_151 = arith.constant 0 : i32
      %dma_wait3A_152 = arith.constant 0 : i32
      %dma_wait3A_153 = tpu.memref_slice %arg3[%add3A_63, %dma_wait3A_151, %dma_wait3A_152] : memref<4000x2x80xi32, #tpu.memory_space<hbm>> -> memref<62x2x80xi32, #tpu.memory_space<hbm>>
      tpu.wait_dma2 semaphore(%run_scoped3A : memref<!tpu.dma_semaphore, #tpu.memory_space<semaphore_mem>>) src(%dma_wait3A_153 : memref<62x2x80xi32, #tpu.memory_space<hbm>>) dst(%dma_wait3A_150 : memref<62x2x80xi32, #tpu.memory_space<vmem>>)
      tpu.yield
    }) : () -> ()
    %dma_start3A_64 = arith.constant 0 : i32
    %dma_start3A_65 = arith.constant 0 : i32
    %dma_start3A_66 = arith.constant 0 : i32
    %dma_start3A_67 = tpu.memref_slice %arg6[%dma_start3A_64, %dma_start3A_65, %dma_start3A_66] : memref<63x2x80xi32, #tpu.memory_space<vmem>> -> memref<1x1x80xi32, #tpu.memory_space<vmem>>
    %dma_start3A_68 = tpu.memref_squeeze %dma_start3A_67 : memref<1x1x80xi32, #tpu.memory_space<vmem>> -> memref<80xi32, #tpu.memory_space<vmem>>
    %dma_start3A_69 = arith.constant 0 : i32
    %dma_start3A_70 = arith.constant 0 : i32
    %dma_start3A_71 = tpu.memref_slice %arg2[%dma_start3A_69, %dma_start3A_70] : memref<10000x128xf32, #tpu.memory_space<hbm>> -> memref<10000x128xf32, #tpu.memory_space<hbm>>
    tpu.enqueue_indirect_dma source(%dma_start3A_71 : memref<10000x128xf32, #tpu.memory_space<hbm>>) target(%arg7 : memref<80x128xf32, #tpu.memory_space<vmem>>) offsets(%dma_start3A_68 : memref<80xi32, #tpu.memory_space<vmem>>) semaphore(%arg11 : memref<!tpu.dma_semaphore, #tpu.memory_space<semaphore_mem>>)
    %dma_start3A_72 = arith.constant 1 : i32
    %dma_start3A_73 = arith.constant 0 : i32
    %dma_start3A_74 = arith.constant 0 : i32
    %dma_start3A_75 = tpu.memref_slice %arg6[%dma_start3A_72, %dma_start3A_73, %dma_start3A_74] : memref<63x2x80xi32, #tpu.memory_space<vmem>> -> memref<1x1x80xi32, #tpu.memory_space<vmem>>
    %dma_start3A_76 = tpu.memref_squeeze %dma_start3A_75 : memref<1x1x80xi32, #tpu.memory_space<vmem>> -> memref<80xi32, #tpu.memory_space<vmem>>
    %dma_start3A_77 = arith.constant 0 : i32
    %dma_start3A_78 = arith.constant 0 : i32
    %dma_start3A_79 = tpu.memref_slice %arg2[%dma_start3A_77, %dma_start3A_78] : memref<10000x128xf32, #tpu.memory_space<hbm>> -> memref<10000x128xf32, #tpu.memory_space<hbm>>
    tpu.enqueue_indirect_dma source(%dma_start3A_79 : memref<10000x128xf32, #tpu.memory_space<hbm>>) target(%arg8 : memref<80x128xf32, #tpu.memory_space<vmem>>) offsets(%dma_start3A_76 : memref<80xi32, #tpu.memory_space<vmem>>) semaphore(%arg12 : memref<!tpu.dma_semaphore, #tpu.memory_space<semaphore_mem>>)
    %dma_start3A_80 = arith.constant 2 : i32
    %dma_start3A_81 = arith.constant 0 : i32
    %dma_start3A_82 = arith.constant 0 : i32
    %dma_start3A_83 = tpu.memref_slice %arg6[%dma_start3A_80, %dma_start3A_81, %dma_start3A_82] : memref<63x2x80xi32, #tpu.memory_space<vmem>> -> memref<1x1x80xi32, #tpu.memory_space<vmem>>
    %dma_start3A_84 = tpu.memref_squeeze %dma_start3A_83 : memref<1x1x80xi32, #tpu.memory_space<vmem>> -> memref<80xi32, #tpu.memory_space<vmem>>
    %dma_start3A_85 = arith.constant 0 : i32
    %dma_start3A_86 = arith.constant 0 : i32
    %dma_start3A_87 = tpu.memref_slice %arg2[%dma_start3A_85, %dma_start3A_86] : memref<10000x128xf32, #tpu.memory_space<hbm>> -> memref<10000x128xf32, #tpu.memory_space<hbm>>
    tpu.enqueue_indirect_dma source(%dma_start3A_87 : memref<10000x128xf32, #tpu.memory_space<hbm>>) target(%arg9 : memref<80x128xf32, #tpu.memory_space<vmem>>) offsets(%dma_start3A_84 : memref<80xi32, #tpu.memory_space<vmem>>) semaphore(%arg13 : memref<!tpu.dma_semaphore, #tpu.memory_space<semaphore_mem>>)
    %scan3A_88 = arith.constant 0 : i32
    %scan3A_89 = arith.constant 21 : i32
    %scan3A_90 = arith.addi %scan3A_88, %scan3A_89 : i32
    %scan3A_91 = arith.constant 1 : i32
    scf.for %scan3A_126 = %scan3A_88 to %scan3A_90 step %scan3A_91  : i32 {
      %mul3A_127 = arith.constant 3 : i32
      %mul3A_128 = arith.muli %scan3A_126, %mul3A_127 : i32
      %add3A_129 = arith.constant 0 : i32
      %add3A_130 = arith.addi %add3A_129, %mul3A_128 : i32
      %add3A_131 = arith.constant 0 : i32
      %add3A_132 = arith.addi %add3A_130, %add3A_131 : i32
      %lt3A = arith.constant 62 : i32
      %lt3A_133 = arith.cmpi slt, %add3A_132, %lt3A : i32
      %convert_element_type3A = arith.extui %lt3A_133 : i1 to i32
      %cond3A = arith.constant 0 : i32
      %cond3A_134 = arith.cmpi ne, %convert_element_type3A, %cond3A : i32
      scf.if %cond3A_134 {
        %add3A_176 = arith.constant 0 : i32
        %add3A_177 = arith.addi %add3A_130, %add3A_176 : i32
        %dma_wait3A_178 = arith.constant 0 : i32
        %dma_wait3A_179 = arith.constant 0 : i32
        %dma_wait3A_180 = tpu.memref_slice %arg6[%add3A_177, %dma_wait3A_178, %dma_wait3A_179] : memref<63x2x80xi32, #tpu.memory_space<vmem>> -> memref<1x1x80xi32, #tpu.memory_space<vmem>>
        %dma_wait3A_181 = tpu.memref_squeeze %dma_wait3A_180 : memref<1x1x80xi32, #tpu.memory_space<vmem>> -> memref<80xi32, #tpu.memory_space<vmem>>
        %dma_wait3A_182 = arith.constant 0 : i32
        %dma_wait3A_183 = arith.constant 0 : i32
        %dma_wait3A_184 = tpu.memref_slice %arg2[%dma_wait3A_182, %dma_wait3A_183] : memref<10000x128xf32, #tpu.memory_space<hbm>> -> memref<10000x128xf32, #tpu.memory_space<hbm>>
        tpu.wait_indirect_dma semaphore(%arg11 : memref<!tpu.dma_semaphore, #tpu.memory_space<semaphore_mem>>) src(%dma_wait3A_184 : memref<10000x128xf32, #tpu.memory_space<hbm>>) dst(%arg7 : memref<80x128xf32, #tpu.memory_space<vmem>>)
        %add3A_185 = arith.constant 0 : i32
        %add3A_186 = arith.addi %add3A_130, %add3A_185 : i32
        %dma_start3A_187 = arith.constant 1 : i32
        %dma_start3A_188 = arith.constant 0 : i32
        %dma_start3A_189 = tpu.memref_slice %arg6[%add3A_186, %dma_start3A_187, %dma_start3A_188] : memref<63x2x80xi32, #tpu.memory_space<vmem>> -> memref<1x1x80xi32, #tpu.memory_space<vmem>>
        %dma_start3A_190 = tpu.memref_squeeze %dma_start3A_189 : memref<1x1x80xi32, #tpu.memory_space<vmem>> -> memref<80xi32, #tpu.memory_space<vmem>>
        %dma_start3A_191 = arith.constant 0 : i32
        %dma_start3A_192 = arith.constant 0 : i32
        %dma_start3A_193 = tpu.memref_slice %arg10[%dma_start3A_191, %dma_start3A_192] : memref<10000x128xf32, #tpu.memory_space<vmem_shared>> -> memref<10000x128xf32, #tpu.memory_space<vmem_shared>>
        tpu.enqueue_indirect_dma source(%arg7 : memref<80x128xf32, #tpu.memory_space<vmem>>) target(%dma_start3A_193 : memref<10000x128xf32, #tpu.memory_space<vmem_shared>>) offsets(%dma_start3A_190 : memref<80xi32, #tpu.memory_space<vmem>>) semaphore(%arg14 : memref<!tpu.dma_semaphore, #tpu.memory_space<semaphore_mem>>) {add = true}
      } else {
      }
      %add3A_135 = arith.constant 1 : i32
      %add3A_136 = arith.addi %add3A_130, %add3A_135 : i32
      %lt3A_137 = arith.constant 62 : i32
      %lt3A_138 = arith.cmpi slt, %add3A_136, %lt3A_137 : i32
      %convert_element_type3A_139 = arith.extui %lt3A_138 : i1 to i32
      %cond3A_140 = arith.constant 0 : i32
      %cond3A_141 = arith.cmpi ne, %convert_element_type3A_139, %cond3A_140 : i32
      scf.if %cond3A_141 {
        %add3A_176 = arith.constant 1 : i32
        %add3A_177 = arith.addi %add3A_130, %add3A_176 : i32
        %dma_wait3A_178 = arith.constant 0 : i32
        %dma_wait3A_179 = arith.constant 0 : i32
        %dma_wait3A_180 = tpu.memref_slice %arg6[%add3A_177, %dma_wait3A_178, %dma_wait3A_179] : memref<63x2x80xi32, #tpu.memory_space<vmem>> -> memref<1x1x80xi32, #tpu.memory_space<vmem>>
        %dma_wait3A_181 = tpu.memref_squeeze %dma_wait3A_180 : memref<1x1x80xi32, #tpu.memory_space<vmem>> -> memref<80xi32, #tpu.memory_space<vmem>>
        %dma_wait3A_182 = arith.constant 0 : i32
        %dma_wait3A_183 = arith.constant 0 : i32
        %dma_wait3A_184 = tpu.memref_slice %arg2[%dma_wait3A_182, %dma_wait3A_183] : memref<10000x128xf32, #tpu.memory_space<hbm>> -> memref<10000x128xf32, #tpu.memory_space<hbm>>
        tpu.wait_indirect_dma semaphore(%arg12 : memref<!tpu.dma_semaphore, #tpu.memory_space<semaphore_mem>>) src(%dma_wait3A_184 : memref<10000x128xf32, #tpu.memory_space<hbm>>) dst(%arg8 : memref<80x128xf32, #tpu.memory_space<vmem>>)
        %add3A_185 = arith.constant 1 : i32
        %add3A_186 = arith.addi %add3A_130, %add3A_185 : i32
        %dma_start3A_187 = arith.constant 1 : i32
        %dma_start3A_188 = arith.constant 0 : i32
        %dma_start3A_189 = tpu.memref_slice %arg6[%add3A_186, %dma_start3A_187, %dma_start3A_188] : memref<63x2x80xi32, #tpu.memory_space<vmem>> -> memref<1x1x80xi32, #tpu.memory_space<vmem>>
        %dma_start3A_190 = tpu.memref_squeeze %dma_start3A_189 : memref<1x1x80xi32, #tpu.memory_space<vmem>> -> memref<80xi32, #tpu.memory_space<vmem>>
        %dma_start3A_191 = arith.constant 0 : i32
        %dma_start3A_192 = arith.constant 0 : i32
        %dma_start3A_193 = tpu.memref_slice %arg10[%dma_start3A_191, %dma_start3A_192] : memref<10000x128xf32, #tpu.memory_space<vmem_shared>> -> memref<10000x128xf32, #tpu.memory_space<vmem_shared>>
        tpu.enqueue_indirect_dma source(%arg8 : memref<80x128xf32, #tpu.memory_space<vmem>>) target(%dma_start3A_193 : memref<10000x128xf32, #tpu.memory_space<vmem_shared>>) offsets(%dma_start3A_190 : memref<80xi32, #tpu.memory_space<vmem>>) semaphore(%arg15 : memref<!tpu.dma_semaphore, #tpu.memory_space<semaphore_mem>>) {add = true}
      } else {
      }
      %add3A_142 = arith.constant 2 : i32
      %add3A_143 = arith.addi %add3A_130, %add3A_142 : i32
      %lt3A_144 = arith.constant 62 : i32
      %lt3A_145 = arith.cmpi slt, %add3A_143, %lt3A_144 : i32
      %convert_element_type3A_146 = arith.extui %lt3A_145 : i1 to i32
      %cond3A_147 = arith.constant 0 : i32
      %cond3A_148 = arith.cmpi ne, %convert_element_type3A_146, %cond3A_147 : i32
      scf.if %cond3A_148 {
        %add3A_176 = arith.constant 2 : i32
        %add3A_177 = arith.addi %add3A_130, %add3A_176 : i32
        %dma_wait3A_178 = arith.constant 0 : i32
        %dma_wait3A_179 = arith.constant 0 : i32
        %dma_wait3A_180 = tpu.memref_slice %arg6[%add3A_177, %dma_wait3A_178, %dma_wait3A_179] : memref<63x2x80xi32, #tpu.memory_space<vmem>> -> memref<1x1x80xi32, #tpu.memory_space<vmem>>
        %dma_wait3A_181 = tpu.memref_squeeze %dma_wait3A_180 : memref<1x1x80xi32, #tpu.memory_space<vmem>> -> memref<80xi32, #tpu.memory_space<vmem>>
        %dma_wait3A_182 = arith.constant 0 : i32
        %dma_wait3A_183 = arith.constant 0 : i32
        %dma_wait3A_184 = tpu.memref_slice %arg2[%dma_wait3A_182, %dma_wait3A_183] : memref<10000x128xf32, #tpu.memory_space<hbm>> -> memref<10000x128xf32, #tpu.memory_space<hbm>>
        tpu.wait_indirect_dma semaphore(%arg13 : memref<!tpu.dma_semaphore, #tpu.memory_space<semaphore_mem>>) src(%dma_wait3A_184 : memref<10000x128xf32, #tpu.memory_space<hbm>>) dst(%arg9 : memref<80x128xf32, #tpu.memory_space<vmem>>)
        %add3A_185 = arith.constant 2 : i32
        %add3A_186 = arith.addi %add3A_130, %add3A_185 : i32
        %dma_start3A_187 = arith.constant 1 : i32
        %dma_start3A_188 = arith.constant 0 : i32
        %dma_start3A_189 = tpu.memref_slice %arg6[%add3A_186, %dma_start3A_187, %dma_start3A_188] : memref<63x2x80xi32, #tpu.memory_space<vmem>> -> memref<1x1x80xi32, #tpu.memory_space<vmem>>
        %dma_start3A_190 = tpu.memref_squeeze %dma_start3A_189 : memref<1x1x80xi32, #tpu.memory_space<vmem>> -> memref<80xi32, #tpu.memory_space<vmem>>
        %dma_start3A_191 = arith.constant 0 : i32
        %dma_start3A_192 = arith.constant 0 : i32
        %dma_start3A_193 = tpu.memref_slice %arg10[%dma_start3A_191, %dma_start3A_192] : memref<10000x128xf32, #tpu.memory_space<vmem_shared>> -> memref<10000x128xf32, #tpu.memory_space<vmem_shared>>
        tpu.enqueue_indirect_dma source(%arg9 : memref<80x128xf32, #tpu.memory_space<vmem>>) target(%dma_start3A_193 : memref<10000x128xf32, #tpu.memory_space<vmem_shared>>) offsets(%dma_start3A_190 : memref<80xi32, #tpu.memory_space<vmem>>) semaphore(%arg16 : memref<!tpu.dma_semaphore, #tpu.memory_space<semaphore_mem>>) {add = true}
      } else {
      }
      %add3A_149 = arith.constant 0 : i32
      %add3A_150 = arith.addi %add3A_130, %add3A_149 : i32
      %add3A_151 = arith.constant 3 : i32
      %add3A_152 = arith.addi %add3A_150, %add3A_151 : i32
      %lt3A_153 = arith.constant 62 : i32
      %lt3A_154 = arith.cmpi slt, %add3A_152, %lt3A_153 : i32
      %convert_element_type3A_155 = arith.extui %lt3A_154 : i1 to i32
      %cond3A_156 = arith.constant 0 : i32
      %cond3A_157 = arith.cmpi ne, %convert_element_type3A_155, %cond3A_156 : i32
      scf.if %cond3A_157 {
        %add3A_176 = arith.constant 0 : i32
        %add3A_177 = arith.addi %add3A_130, %add3A_176 : i32
        %dma_wait3A_178 = arith.constant 1 : i32
        %dma_wait3A_179 = arith.constant 0 : i32
        %dma_wait3A_180 = tpu.memref_slice %arg6[%add3A_177, %dma_wait3A_178, %dma_wait3A_179] : memref<63x2x80xi32, #tpu.memory_space<vmem>> -> memref<1x1x80xi32, #tpu.memory_space<vmem>>
        %dma_wait3A_181 = tpu.memref_squeeze %dma_wait3A_180 : memref<1x1x80xi32, #tpu.memory_space<vmem>> -> memref<80xi32, #tpu.memory_space<vmem>>
        %dma_wait3A_182 = arith.constant 0 : i32
        %dma_wait3A_183 = arith.constant 0 : i32
        %dma_wait3A_184 = tpu.memref_slice %arg10[%dma_wait3A_182, %dma_wait3A_183] : memref<10000x128xf32, #tpu.memory_space<vmem_shared>> -> memref<10000x128xf32, #tpu.memory_space<vmem_shared>>
        tpu.wait_indirect_dma semaphore(%arg14 : memref<!tpu.dma_semaphore, #tpu.memory_space<semaphore_mem>>) src(%arg7 : memref<80x128xf32, #tpu.memory_space<vmem>>) dst(%dma_wait3A_184 : memref<10000x128xf32, #tpu.memory_space<vmem_shared>>)
        %add3A_185 = arith.constant 0 : i32
        %add3A_186 = arith.addi %add3A_130, %add3A_185 : i32
        %add3A_187 = arith.constant 3 : i32
        %add3A_188 = arith.addi %add3A_186, %add3A_187 : i32
        %dma_start3A_189 = arith.constant 0 : i32
        %dma_start3A_190 = arith.constant 0 : i32
        %dma_start3A_191 = tpu.memref_slice %arg6[%add3A_188, %dma_start3A_189, %dma_start3A_190] : memref<63x2x80xi32, #tpu.memory_space<vmem>> -> memref<1x1x80xi32, #tpu.memory_space<vmem>>
        %dma_start3A_192 = tpu.memref_squeeze %dma_start3A_191 : memref<1x1x80xi32, #tpu.memory_space<vmem>> -> memref<80xi32, #tpu.memory_space<vmem>>
        %dma_start3A_193 = arith.constant 0 : i32
        %dma_start3A_194 = arith.constant 0 : i32
        %dma_start3A_195 = tpu.memref_slice %arg2[%dma_start3A_193, %dma_start3A_194] : memref<10000x128xf32, #tpu.memory_space<hbm>> -> memref<10000x128xf32, #tpu.memory_space<hbm>>
        tpu.enqueue_indirect_dma source(%dma_start3A_195 : memref<10000x128xf32, #tpu.memory_space<hbm>>) target(%arg7 : memref<80x128xf32, #tpu.memory_space<vmem>>) offsets(%dma_start3A_192 : memref<80xi32, #tpu.memory_space<vmem>>) semaphore(%arg11 : memref<!tpu.dma_semaphore, #tpu.memory_space<semaphore_mem>>)
      } else {
      }
      %add3A_158 = arith.constant 1 : i32
      %add3A_159 = arith.addi %add3A_130, %add3A_158 : i32
      %add3A_160 = arith.constant 3 : i32
      %add3A_161 = arith.addi %add3A_159, %add3A_160 : i32
      %lt3A_162 = arith.constant 62 : i32
      %lt3A_163 = arith.cmpi slt, %add3A_161, %lt3A_162 : i32
      %convert_element_type3A_164 = arith.extui %lt3A_163 : i1 to i32
      %cond3A_165 = arith.constant 0 : i32
      %cond3A_166 = arith.cmpi ne, %convert_element_type3A_164, %cond3A_165 : i32
      scf.if %cond3A_166 {
        %add3A_176 = arith.constant 1 : i32
        %add3A_177 = arith.addi %add3A_130, %add3A_176 : i32
        %dma_wait3A_178 = arith.constant 1 : i32
        %dma_wait3A_179 = arith.constant 0 : i32
        %dma_wait3A_180 = tpu.memref_slice %arg6[%add3A_177, %dma_wait3A_178, %dma_wait3A_179] : memref<63x2x80xi32, #tpu.memory_space<vmem>> -> memref<1x1x80xi32, #tpu.memory_space<vmem>>
        %dma_wait3A_181 = tpu.memref_squeeze %dma_wait3A_180 : memref<1x1x80xi32, #tpu.memory_space<vmem>> -> memref<80xi32, #tpu.memory_space<vmem>>
        %dma_wait3A_182 = arith.constant 0 : i32
        %dma_wait3A_183 = arith.constant 0 : i32
        %dma_wait3A_184 = tpu.memref_slice %arg10[%dma_wait3A_182, %dma_wait3A_183] : memref<10000x128xf32, #tpu.memory_space<vmem_shared>> -> memref<10000x128xf32, #tpu.memory_space<vmem_shared>>
        tpu.wait_indirect_dma semaphore(%arg15 : memref<!tpu.dma_semaphore, #tpu.memory_space<semaphore_mem>>) src(%arg8 : memref<80x128xf32, #tpu.memory_space<vmem>>) dst(%dma_wait3A_184 : memref<10000x128xf32, #tpu.memory_space<vmem_shared>>)
        %add3A_185 = arith.constant 1 : i32
        %add3A_186 = arith.addi %add3A_130, %add3A_185 : i32
        %add3A_187 = arith.constant 3 : i32
        %add3A_188 = arith.addi %add3A_186, %add3A_187 : i32
        %dma_start3A_189 = arith.constant 0 : i32
        %dma_start3A_190 = arith.constant 0 : i32
        %dma_start3A_191 = tpu.memref_slice %arg6[%add3A_188, %dma_start3A_189, %dma_start3A_190] : memref<63x2x80xi32, #tpu.memory_space<vmem>> -> memref<1x1x80xi32, #tpu.memory_space<vmem>>
        %dma_start3A_192 = tpu.memref_squeeze %dma_start3A_191 : memref<1x1x80xi32, #tpu.memory_space<vmem>> -> memref<80xi32, #tpu.memory_space<vmem>>
        %dma_start3A_193 = arith.constant 0 : i32
        %dma_start3A_194 = arith.constant 0 : i32
        %dma_start3A_195 = tpu.memref_slice %arg2[%dma_start3A_193, %dma_start3A_194] : memref<10000x128xf32, #tpu.memory_space<hbm>> -> memref<10000x128xf32, #tpu.memory_space<hbm>>
        tpu.enqueue_indirect_dma source(%dma_start3A_195 : memref<10000x128xf32, #tpu.memory_space<hbm>>) target(%arg8 : memref<80x128xf32, #tpu.memory_space<vmem>>) offsets(%dma_start3A_192 : memref<80xi32, #tpu.memory_space<vmem>>) semaphore(%arg12 : memref<!tpu.dma_semaphore, #tpu.memory_space<semaphore_mem>>)
      } else {
      }
      %add3A_167 = arith.constant 2 : i32
      %add3A_168 = arith.addi %add3A_130, %add3A_167 : i32
      %add3A_169 = arith.constant 3 : i32
      %add3A_170 = arith.addi %add3A_168, %add3A_169 : i32
      %lt3A_171 = arith.constant 62 : i32
      %lt3A_172 = arith.cmpi slt, %add3A_170, %lt3A_171 : i32
      %convert_element_type3A_173 = arith.extui %lt3A_172 : i1 to i32
      %cond3A_174 = arith.constant 0 : i32
      %cond3A_175 = arith.cmpi ne, %convert_element_type3A_173, %cond3A_174 : i32
      scf.if %cond3A_175 {
        %add3A_176 = arith.constant 2 : i32
        %add3A_177 = arith.addi %add3A_130, %add3A_176 : i32
        %dma_wait3A_178 = arith.constant 1 : i32
        %dma_wait3A_179 = arith.constant 0 : i32
        %dma_wait3A_180 = tpu.memref_slice %arg6[%add3A_177, %dma_wait3A_178, %dma_wait3A_179] : memref<63x2x80xi32, #tpu.memory_space<vmem>> -> memref<1x1x80xi32, #tpu.memory_space<vmem>>
        %dma_wait3A_181 = tpu.memref_squeeze %dma_wait3A_180 : memref<1x1x80xi32, #tpu.memory_space<vmem>> -> memref<80xi32, #tpu.memory_space<vmem>>
        %dma_wait3A_182 = arith.constant 0 : i32
        %dma_wait3A_183 = arith.constant 0 : i32
        %dma_wait3A_184 = tpu.memref_slice %arg10[%dma_wait3A_182, %dma_wait3A_183] : memref<10000x128xf32, #tpu.memory_space<vmem_shared>> -> memref<10000x128xf32, #tpu.memory_space<vmem_shared>>
        tpu.wait_indirect_dma semaphore(%arg16 : memref<!tpu.dma_semaphore, #tpu.memory_space<semaphore_mem>>) src(%arg9 : memref<80x128xf32, #tpu.memory_space<vmem>>) dst(%dma_wait3A_184 : memref<10000x128xf32, #tpu.memory_space<vmem_shared>>)
        %add3A_185 = arith.constant 2 : i32
        %add3A_186 = arith.addi %add3A_130, %add3A_185 : i32
        %add3A_187 = arith.constant 3 : i32
        %add3A_188 = arith.addi %add3A_186, %add3A_187 : i32
        %dma_start3A_189 = arith.constant 0 : i32
        %dma_start3A_190 = arith.constant 0 : i32
        %dma_start3A_191 = tpu.memref_slice %arg6[%add3A_188, %dma_start3A_189, %dma_start3A_190] : memref<63x2x80xi32, #tpu.memory_space<vmem>> -> memref<1x1x80xi32, #tpu.memory_space<vmem>>
        %dma_start3A_192 = tpu.memref_squeeze %dma_start3A_191 : memref<1x1x80xi32, #tpu.memory_space<vmem>> -> memref<80xi32, #tpu.memory_space<vmem>>
        %dma_start3A_193 = arith.constant 0 : i32
        %dma_start3A_194 = arith.constant 0 : i32
        %dma_start3A_195 = tpu.memref_slice %arg2[%dma_start3A_193, %dma_start3A_194] : memref<10000x128xf32, #tpu.memory_space<hbm>> -> memref<10000x128xf32, #tpu.memory_space<hbm>>
        tpu.enqueue_indirect_dma source(%dma_start3A_195 : memref<10000x128xf32, #tpu.memory_space<hbm>>) target(%arg9 : memref<80x128xf32, #tpu.memory_space<vmem>>) offsets(%dma_start3A_192 : memref<80xi32, #tpu.memory_space<vmem>>) semaphore(%arg13 : memref<!tpu.dma_semaphore, #tpu.memory_space<semaphore_mem>>)
      } else {
      }
    }
    %scan3A_92 = arith.constant 21 : i32
    %dma_wait3A_93 = arith.constant 59 : i32
    %dma_wait3A_94 = arith.constant 1 : i32
    %dma_wait3A_95 = arith.constant 0 : i32
    %dma_wait3A_96 = tpu.memref_slice %arg6[%dma_wait3A_93, %dma_wait3A_94, %dma_wait3A_95] : memref<63x2x80xi32, #tpu.memory_space<vmem>> -> memref<1x1x80xi32, #tpu.memory_space<vmem>>
    %dma_wait3A_97 = tpu.memref_squeeze %dma_wait3A_96 : memref<1x1x80xi32, #tpu.memory_space<vmem>> -> memref<80xi32, #tpu.memory_space<vmem>>
    %dma_wait3A_98 = arith.constant 0 : i32
    %dma_wait3A_99 = arith.constant 0 : i32
    %dma_wait3A_100 = tpu.memref_slice %arg10[%dma_wait3A_98, %dma_wait3A_99] : memref<10000x128xf32, #tpu.memory_space<vmem_shared>> -> memref<10000x128xf32, #tpu.memory_space<vmem_shared>>
    tpu.wait_indirect_dma semaphore(%arg16 : memref<!tpu.dma_semaphore, #tpu.memory_space<semaphore_mem>>) src(%arg9 : memref<80x128xf32, #tpu.memory_space<vmem>>) dst(%dma_wait3A_100 : memref<10000x128xf32, #tpu.memory_space<vmem_shared>>)
    %dma_wait3A_101 = arith.constant 60 : i32
    %dma_wait3A_102 = arith.constant 1 : i32
    %dma_wait3A_103 = arith.constant 0 : i32
    %dma_wait3A_104 = tpu.memref_slice %arg6[%dma_wait3A_101, %dma_wait3A_102, %dma_wait3A_103] : memref<63x2x80xi32, #tpu.memory_space<vmem>> -> memref<1x1x80xi32, #tpu.memory_space<vmem>>
    %dma_wait3A_105 = tpu.memref_squeeze %dma_wait3A_104 : memref<1x1x80xi32, #tpu.memory_space<vmem>> -> memref<80xi32, #tpu.memory_space<vmem>>
    %dma_wait3A_106 = arith.constant 0 : i32
    %dma_wait3A_107 = arith.constant 0 : i32
    %dma_wait3A_108 = tpu.memref_slice %arg10[%dma_wait3A_106, %dma_wait3A_107] : memref<10000x128xf32, #tpu.memory_space<vmem_shared>> -> memref<10000x128xf32, #tpu.memory_space<vmem_shared>>
    tpu.wait_indirect_dma semaphore(%arg14 : memref<!tpu.dma_semaphore, #tpu.memory_space<semaphore_mem>>) src(%arg7 : memref<80x128xf32, #tpu.memory_space<vmem>>) dst(%dma_wait3A_108 : memref<10000x128xf32, #tpu.memory_space<vmem_shared>>)
    %dma_wait3A_109 = arith.constant 61 : i32
    %dma_wait3A_110 = arith.constant 1 : i32
    %dma_wait3A_111 = arith.constant 0 : i32
    %dma_wait3A_112 = tpu.memref_slice %arg6[%dma_wait3A_109, %dma_wait3A_110, %dma_wait3A_111] : memref<63x2x80xi32, #tpu.memory_space<vmem>> -> memref<1x1x80xi32, #tpu.memory_space<vmem>>
    %dma_wait3A_113 = tpu.memref_squeeze %dma_wait3A_112 : memref<1x1x80xi32, #tpu.memory_space<vmem>> -> memref<80xi32, #tpu.memory_space<vmem>>
    %dma_wait3A_114 = arith.constant 0 : i32
    %dma_wait3A_115 = arith.constant 0 : i32
    %dma_wait3A_116 = tpu.memref_slice %arg10[%dma_wait3A_114, %dma_wait3A_115] : memref<10000x128xf32, #tpu.memory_space<vmem_shared>> -> memref<10000x128xf32, #tpu.memory_space<vmem_shared>>
    tpu.wait_indirect_dma semaphore(%arg15 : memref<!tpu.dma_semaphore, #tpu.memory_space<semaphore_mem>>) src(%arg8 : memref<80x128xf32, #tpu.memory_space<vmem>>) dst(%dma_wait3A_116 : memref<10000x128xf32, #tpu.memory_space<vmem_shared>>)
    %barrier3A_117 = arith.constant 0 : index
    tpu.barrier barrier_id(%barrier3A_117)
    %mul3A_118 = arith.constant 632 : i32
    %mul3A_119 = arith.muli %arg1, %mul3A_118 : i32
    %min3A_120 = arith.constant 9368 : i32
    %min3A_121 = arith.minsi %mul3A_119, %min3A_120 : i32
    %mul3A_122 = arith.constant 632 : i32
    %mul3A_123 = arith.muli %arg1, %mul3A_122 : i32
    %min3A_124 = arith.constant 9368 : i32
    %min3A_125 = arith.minsi %mul3A_123, %min3A_124 : i32
    "tpu.region"() ({
      %run_scoped3A = tpu.sem_alloc : memref<!tpu.dma_semaphore, #tpu.memory_space<semaphore_mem>>
      %dma_start3A_126 = arith.constant 0 : i32
      %dma_start3A_127 = tpu.memref_slice %arg5[%arg0, %min3A_125, %dma_start3A_126] : memref<2x10000x128xf32, #tpu.memory_space<hbm>> -> memref<1x632x128xf32, #tpu.memory_space<hbm>>
      %dma_start3A_128 = tpu.memref_squeeze %dma_start3A_127 : memref<1x632x128xf32, #tpu.memory_space<hbm>> -> memref<632x128xf32, #tpu.memory_space<hbm>>
      %dma_start3A_129 = arith.constant 0 : i32
      %dma_start3A_130 = tpu.memref_slice %arg10[%min3A_121, %dma_start3A_129] : memref<10000x128xf32, #tpu.memory_space<vmem_shared>> -> memref<632x128xf32, #tpu.memory_space<vmem_shared>>
      tpu.enqueue_dma source(%dma_start3A_130 : memref<632x128xf32, #tpu.memory_space<vmem_shared>>) target(%dma_start3A_128 : memref<632x128xf32, #tpu.memory_space<hbm>>) target_semaphore(%run_scoped3A : memref<!tpu.dma_semaphore, #tpu.memory_space<semaphore_mem>>)
      %dma_wait3A_131 = arith.constant 0 : i32
      %dma_wait3A_132 = tpu.memref_slice %arg5[%arg0, %min3A_125, %dma_wait3A_131] : memref<2x10000x128xf32, #tpu.memory_space<hbm>> -> memref<1x632x128xf32, #tpu.memory_space<hbm>>
      %dma_wait3A_133 = tpu.memref_squeeze %dma_wait3A_132 : memref<1x632x128xf32, #tpu.memory_space<hbm>> -> memref<632x128xf32, #tpu.memory_space<hbm>>
      %dma_wait3A_134 = arith.constant 0 : i32
      %dma_wait3A_135 = tpu.memref_slice %arg10[%min3A_121, %dma_wait3A_134] : memref<10000x128xf32, #tpu.memory_space<vmem_shared>> -> memref<632x128xf32, #tpu.memory_space<vmem_shared>>
      tpu.wait_dma2 semaphore(%run_scoped3A : memref<!tpu.dma_semaphore, #tpu.memory_space<semaphore_mem>>) src(%dma_wait3A_135 : memref<632x128xf32, #tpu.memory_space<vmem_shared>>) dst(%dma_wait3A_133 : memref<632x128xf32, #tpu.memory_space<hbm>>)
      tpu.yield
    }) : () -> ()
    return
  }
}

module attributes {stable_mosaic.version = 14 : i64} {
  func.func @body(%arg0: memref<2x320000xi32, #tpu.memory_space<vmem>>, %arg1: memref<128x128xf32, #tpu.memory_space<vmem>>, %arg2: memref<128x128xf32, #tpu.memory_space<vmem>>) attributes {dimension_semantics = [], scalar_prefetch = 0 : i64, scratch_operands = 0 : i64, tpu.core_type = #tpu.core_type<tc>} {
    %iota3A = tpu.iota {dimensions = array<i32: 0>} : vector<128x1xi32>
    %broadcast_in_dim3A = arith.constant 0.000000e+00 : f32
    %broadcast_in_dim3A_0 = vector.broadcast %broadcast_in_dim3A : f32 to vector<128x128xf32>
    %scan3A = arith.constant 0 : i32
    %scan3A_1 = arith.constant 125 : i32
    %scan3A_2 = arith.addi %scan3A, %scan3A_1 : i32
    %scan3A_3 = arith.constant 1 : i32
    %scan3A_4:2 = scf.for %scan3A_11 = %scan3A to %scan3A_2 step %scan3A_3 iter_args(%scan3A_12 = %broadcast_in_dim3A_0, %scan3A_13 = %broadcast_in_dim3A_0) -> (vector<128x128xf32>, vector<128x128xf32>)  : i32 {
      %mul3A = arith.constant 2560 : i32
      %mul3A_14 = arith.muli %scan3A_11, %mul3A : i32
      %get3A = arith.constant 0 : index
      %get3A_15 = arith.index_cast %mul3A_14 : i32 to index
      %get3A_16 = vector.load %arg0[%get3A, %get3A_15] : memref<2x320000xi32, #tpu.memory_space<vmem>>, vector<1x2560xi32>
      %shift_right_arithmetic3A = arith.constant 7 : i32
      %shift_right_arithmetic3A_17 = vector.broadcast %shift_right_arithmetic3A : i32 to vector<1x2560xi32>
      %shift_right_arithmetic3A_18 = arith.shrsi %get3A_16, %shift_right_arithmetic3A_17 : vector<1x2560xi32>
      %eq3A = vector.broadcast %shift_right_arithmetic3A_18 : vector<1x2560xi32> to vector<128x2560xi32>
      %eq3A_19 = vector.broadcast %iota3A : vector<128x1xi32> to vector<128x2560xi32>
      %eq3A_20 = arith.cmpi eq, %eq3A, %eq3A_19 : vector<128x2560xi32>
      %and3A = arith.constant 127 : i32
      %and3A_21 = vector.broadcast %and3A : i32 to vector<1x2560xi32>
      %and3A_22 = arith.andi %get3A_16, %and3A_21 : vector<1x2560xi32>
      %eq3A_23 = vector.broadcast %and3A_22 : vector<1x2560xi32> to vector<128x2560xi32>
      %eq3A_24 = vector.broadcast %iota3A : vector<128x1xi32> to vector<128x2560xi32>
      %eq3A_25 = arith.cmpi eq, %eq3A_23, %eq3A_24 : vector<128x2560xi32>
      %convert_element_type3A = arith.extui %eq3A_20 : vector<128x2560xi1> to vector<128x2560xi32>
      %convert_element_type3A_26 = arith.sitofp %convert_element_type3A : vector<128x2560xi32> to vector<128x2560xf32>
      %convert_element_type3A_27 = arith.truncf %convert_element_type3A_26 : vector<128x2560xf32> to vector<128x2560xbf16>
      %convert_element_type3A_28 = arith.extui %eq3A_25 : vector<128x2560xi1> to vector<128x2560xi32>
      %convert_element_type3A_29 = arith.sitofp %convert_element_type3A_28 : vector<128x2560xi32> to vector<128x2560xf32>
      %convert_element_type3A_30 = arith.truncf %convert_element_type3A_29 : vector<128x2560xf32> to vector<128x2560xbf16>
      %mul3A_31 = arith.constant 2560 : i32
      %mul3A_32 = arith.muli %scan3A_11, %mul3A_31 : i32
      %get3A_33 = arith.constant 1 : index
      %get3A_34 = arith.index_cast %mul3A_32 : i32 to index
      %get3A_35 = vector.load %arg0[%get3A_33, %get3A_34] : memref<2x320000xi32, #tpu.memory_space<vmem>>, vector<1x2560xi32>
      %shift_right_arithmetic3A_36 = arith.constant 7 : i32
      %shift_right_arithmetic3A_37 = vector.broadcast %shift_right_arithmetic3A_36 : i32 to vector<1x2560xi32>
      %shift_right_arithmetic3A_38 = arith.shrsi %get3A_35, %shift_right_arithmetic3A_37 : vector<1x2560xi32>
      %eq3A_39 = vector.broadcast %shift_right_arithmetic3A_38 : vector<1x2560xi32> to vector<128x2560xi32>
      %eq3A_40 = vector.broadcast %iota3A : vector<128x1xi32> to vector<128x2560xi32>
      %eq3A_41 = arith.cmpi eq, %eq3A_39, %eq3A_40 : vector<128x2560xi32>
      %and3A_42 = arith.constant 127 : i32
      %and3A_43 = vector.broadcast %and3A_42 : i32 to vector<1x2560xi32>
      %and3A_44 = arith.andi %get3A_35, %and3A_43 : vector<1x2560xi32>
      %eq3A_45 = vector.broadcast %and3A_44 : vector<1x2560xi32> to vector<128x2560xi32>
      %eq3A_46 = vector.broadcast %iota3A : vector<128x1xi32> to vector<128x2560xi32>
      %eq3A_47 = arith.cmpi eq, %eq3A_45, %eq3A_46 : vector<128x2560xi32>
      %convert_element_type3A_48 = arith.extui %eq3A_41 : vector<128x2560xi1> to vector<128x2560xi32>
      %convert_element_type3A_49 = arith.sitofp %convert_element_type3A_48 : vector<128x2560xi32> to vector<128x2560xf32>
      %convert_element_type3A_50 = arith.truncf %convert_element_type3A_49 : vector<128x2560xf32> to vector<128x2560xbf16>
      %convert_element_type3A_51 = arith.extui %eq3A_47 : vector<128x2560xi1> to vector<128x2560xi32>
      %convert_element_type3A_52 = arith.sitofp %convert_element_type3A_51 : vector<128x2560xi32> to vector<128x2560xf32>
      %convert_element_type3A_53 = arith.truncf %convert_element_type3A_52 : vector<128x2560xf32> to vector<128x2560xbf16>
      %dot_general3A = arith.constant dense<0.000000e+00> : vector<128x128xf32>
      %dot_general3A_54 = tpu.matmul %convert_element_type3A_27, %convert_element_type3A_30, %dot_general3A {dimension_numbers = #tpu.dot_dimension_numbers<[1], [1], [0], [0], [0, 0, 1, 0], [], []>, transpose_lhs_hint = false} : vector<128x2560xbf16>, vector<128x2560xbf16>, vector<128x128xf32> -> vector<128x128xf32>
      %add3A = arith.addf %scan3A_12, %dot_general3A_54 : vector<128x128xf32>
      %dot_general3A_55 = arith.constant dense<0.000000e+00> : vector<128x128xf32>
      %dot_general3A_56 = tpu.matmul %convert_element_type3A_50, %convert_element_type3A_53, %dot_general3A_55 {dimension_numbers = #tpu.dot_dimension_numbers<[1], [1], [0], [0], [0, 0, 1, 0], [], []>, transpose_lhs_hint = false} : vector<128x2560xbf16>, vector<128x2560xbf16>, vector<128x128xf32> -> vector<128x128xf32>
      %add3A_57 = arith.addf %scan3A_13, %dot_general3A_56 : vector<128x128xf32>
      scf.yield %add3A, %add3A_57 : vector<128x128xf32>, vector<128x128xf32>
    }
    %scan3A_5 = arith.constant 125 : i32
    %swap3A = arith.constant 0 : index
    %swap3A_6 = arith.constant 0 : index
    %swap3A_7 = vector.load %arg1[%swap3A, %swap3A_6] : memref<128x128xf32, #tpu.memory_space<vmem>>, vector<128x128xf32>
    tpu.vector_store %arg1[%swap3A, %swap3A_6], %scan3A_4#0 {strides = array<i32>} : memref<128x128xf32, #tpu.memory_space<vmem>>, vector<128x128xf32>,
    %swap3A_8 = arith.constant 0 : index
    %swap3A_9 = arith.constant 0 : index
    %swap3A_10 = vector.load %arg2[%swap3A_8, %swap3A_9] : memref<128x128xf32, #tpu.memory_space<vmem>>, vector<128x128xf32>
    tpu.vector_store %arg2[%swap3A_8, %swap3A_9], %scan3A_4#1 {strides = array<i32>} : memref<128x128xf32, #tpu.memory_space<vmem>>, vector<128x128xf32>,
    return
  }
}

module attributes {stable_mosaic.version = 14 : i64} {
  func.func @body(%arg0: memref<10000x128xf32, #tpu.memory_space<vmem>>, %arg1: memref<128x128xf32, #tpu.memory_space<vmem>>, %arg2: memref<10000x1xf32, #tpu.memory_space<vmem>>, %arg3: memref<10000x128xf32, #tpu.memory_space<vmem>>) attributes {dimension_semantics = [], scalar_prefetch = 0 : i64, scratch_operands = 0 : i64, tpu.core_type = #tpu.core_type<tc>} {
    %get3A = arith.constant 0 : index
    %get3A_0 = arith.constant 0 : index
    %get3A_1 = vector.load %arg2[%get3A, %get3A_0] : memref<10000x1xf32, #tpu.memory_space<vmem>>, vector<10000x1xf32>
    %jit3A = arith.constant 1.000000e+00 : f32
    %max3A = vector.broadcast %jit3A : f32 to vector<10000x1xf32>
    %max3A_2 = arith.maximumf %max3A, %get3A_1 : vector<10000x1xf32>
    %rsqrt3A = math.rsqrt %max3A_2 : vector<10000x1xf32>
    %get3A_3 = arith.constant 0 : index
    %get3A_4 = arith.constant 0 : index
    %get3A_5 = vector.load %arg0[%get3A_3, %get3A_4] : memref<10000x128xf32, #tpu.memory_space<vmem>>, vector<10000x128xf32>
    %mul3A = vector.broadcast %rsqrt3A : vector<10000x1xf32> to vector<10000x128xf32>
    %mul3A_6 = arith.mulf %get3A_5, %mul3A : vector<10000x128xf32>
    %get3A_7 = arith.constant 0 : index
    %get3A_8 = arith.constant 0 : index
    %get3A_9 = vector.load %arg1[%get3A_7, %get3A_8] : memref<128x128xf32, #tpu.memory_space<vmem>>, vector<128x128xf32>
    %dot_general3A = arith.constant dense<0.000000e+00> : vector<10000x128xf32>
    %dot_general3A_10 = tpu.matmul %mul3A_6, %get3A_9, %dot_general3A {dimension_numbers = #tpu.dot_dimension_numbers<[1], [0], [0], [1], [0, 0, 1, 1], [], []>, transpose_lhs_hint = false} : vector<10000x128xf32>, vector<128x128xf32>, vector<10000x128xf32> -> vector<10000x128xf32>
    %swap3A = arith.constant 0 : index
    %swap3A_11 = arith.constant 0 : index
    %swap3A_12 = vector.load %arg3[%swap3A, %swap3A_11] : memref<10000x128xf32, #tpu.memory_space<vmem>>, vector<10000x128xf32>
    tpu.vector_store %arg3[%swap3A, %swap3A_11], %dot_general3A_10 {strides = array<i32>} : memref<10000x128xf32, #tpu.memory_space<vmem>>, vector<10000x128xf32>,
    return
  }
}

module attributes {stable_mosaic.version = 14 : i64} {
  func.func @body(%arg0: memref<2x10000x128xf32, #tpu.memory_space<vmem>>, %arg1: memref<10000x1xf32, #tpu.memory_space<vmem>>, %arg2: memref<10000x1xf32, #tpu.memory_space<vmem>>, %arg3: memref<128xf32, #tpu.memory_space<vmem>>, %arg4: memref<128x128xf32, #tpu.memory_space<vmem>>, %arg5: memref<10000x128xf32, #tpu.memory_space<vmem>>) attributes {dimension_semantics = [], scalar_prefetch = 0 : i64, scratch_operands = 0 : i64, tpu.core_type = #tpu.core_type<tc>} {
    %get3A = arith.constant 0 : index
    %get3A_0 = arith.constant 0 : index
    %get3A_1 = vector.load %arg1[%get3A, %get3A_0] : memref<10000x1xf32, #tpu.memory_space<vmem>>, vector<10000x1xf32>
    %jit3A = arith.constant 1.000000e+00 : f32
    %max3A = vector.broadcast %jit3A : f32 to vector<10000x1xf32>
    %max3A_2 = arith.maximumf %max3A, %get3A_1 : vector<10000x1xf32>
    %rsqrt3A = math.rsqrt %max3A_2 : vector<10000x1xf32>
    %get3A_3 = arith.constant 0 : index
    %get3A_4 = arith.constant 0 : index
    %get3A_5 = vector.load %arg2[%get3A_3, %get3A_4] : memref<10000x1xf32, #tpu.memory_space<vmem>>, vector<10000x1xf32>
    %jit3A_6 = arith.constant 1.000000e+00 : f32
    %max3A_7 = vector.broadcast %jit3A_6 : f32 to vector<10000x1xf32>
    %max3A_8 = arith.maximumf %max3A_7, %get3A_5 : vector<10000x1xf32>
    %rsqrt3A_9 = math.rsqrt %max3A_8 : vector<10000x1xf32>
    %get3A_10 = arith.constant 0 : index
    %get3A_11 = arith.constant 0 : index
    %get3A_12 = arith.constant 0 : index
    %get3A_13 = vector.load %arg0[%get3A_10, %get3A_11, %get3A_12] : memref<2x10000x128xf32, #tpu.memory_space<vmem>>, vector<1x10000x128xf32>
    %get3A_14 = vector.shape_cast %get3A_13 : vector<1x10000x128xf32> to vector<10000x128xf32>
    %get3A_15 = arith.constant 1 : index
    %get3A_16 = arith.constant 0 : index
    %get3A_17 = arith.constant 0 : index
    %get3A_18 = vector.load %arg0[%get3A_15, %get3A_16, %get3A_17] : memref<2x10000x128xf32, #tpu.memory_space<vmem>>, vector<1x10000x128xf32>
    %get3A_19 = vector.shape_cast %get3A_18 : vector<1x10000x128xf32> to vector<10000x128xf32>
    %add3A = arith.addf %get3A_14, %get3A_19 : vector<10000x128xf32>
    %mul3A = vector.broadcast %rsqrt3A_9 : vector<10000x1xf32> to vector<10000x128xf32>
    %mul3A_20 = arith.mulf %add3A, %mul3A : vector<10000x128xf32>
    %get3A_21 = arith.constant 0 : index
    %get3A_22 = vector.load %arg3[%get3A_21] : memref<128xf32, #tpu.memory_space<vmem>>, vector<128xf32>
    %broadcast_in_dim3A = vector.shape_cast %get3A_22 : vector<128xf32> to vector<1x128xf32>
    %add3A_23 = vector.broadcast %broadcast_in_dim3A : vector<1x128xf32> to vector<10000x128xf32>
    %add3A_24 = arith.addf %mul3A_20, %add3A_23 : vector<10000x128xf32>
    %max3A_25 = arith.constant 0.000000e+00 : f32
    %max3A_26 = vector.broadcast %max3A_25 : f32 to vector<10000x128xf32>
    %max3A_27 = arith.maximumf %add3A_24, %max3A_26 : vector<10000x128xf32>
    %mul3A_28 = vector.broadcast %rsqrt3A : vector<10000x1xf32> to vector<10000x128xf32>
    %mul3A_29 = arith.mulf %max3A_27, %mul3A_28 : vector<10000x128xf32>
    %get3A_30 = arith.constant 0 : index
    %get3A_31 = arith.constant 0 : index
    %get3A_32 = vector.load %arg4[%get3A_30, %get3A_31] : memref<128x128xf32, #tpu.memory_space<vmem>>, vector<128x128xf32>
    %dot_general3A = arith.constant dense<0.000000e+00> : vector<10000x128xf32>
    %dot_general3A_33 = tpu.matmul %mul3A_29, %get3A_32, %dot_general3A {dimension_numbers = #tpu.dot_dimension_numbers<[1], [0], [0], [1], [0, 0, 1, 1], [], []>, transpose_lhs_hint = false} : vector<10000x128xf32>, vector<128x128xf32>, vector<10000x128xf32> -> vector<10000x128xf32>
    %swap3A = arith.constant 0 : index
    %swap3A_34 = arith.constant 0 : index
    %swap3A_35 = vector.load %arg5[%swap3A, %swap3A_34] : memref<10000x128xf32, #tpu.memory_space<vmem>>, vector<10000x128xf32>
    tpu.vector_store %arg5[%swap3A, %swap3A_34], %dot_general3A_33 {strides = array<i32>} : memref<10000x128xf32, #tpu.memory_space<vmem>>, vector<10000x128xf32>,
    return
  }
}

module attributes {stable_mosaic.version = 14 : i64} {
  func.func @body(%arg0: memref<2x10000x128xf32, #tpu.memory_space<vmem>>, %arg1: memref<10000x1xf32, #tpu.memory_space<vmem>>, %arg2: memref<128xf32, #tpu.memory_space<vmem>>, %arg3: memref<128x1xf32, #tpu.memory_space<vmem>>, %arg4: memref<1xf32, #tpu.memory_space<vmem>>, %arg5: memref<10000x1xf32, #tpu.memory_space<vmem>>) attributes {dimension_semantics = [], scalar_prefetch = 0 : i64, scratch_operands = 0 : i64, tpu.core_type = #tpu.core_type<tc>} {
    %get3A = arith.constant 0 : index
    %get3A_0 = arith.constant 0 : index
    %get3A_1 = vector.load %arg1[%get3A, %get3A_0] : memref<10000x1xf32, #tpu.memory_space<vmem>>, vector<10000x1xf32>
    %jit3A = arith.constant 1.000000e+00 : f32
    %max3A = vector.broadcast %jit3A : f32 to vector<10000x1xf32>
    %max3A_2 = arith.maximumf %max3A, %get3A_1 : vector<10000x1xf32>
    %rsqrt3A = math.rsqrt %max3A_2 : vector<10000x1xf32>
    %get3A_3 = arith.constant 0 : index
    %get3A_4 = arith.constant 0 : index
    %get3A_5 = arith.constant 0 : index
    %get3A_6 = vector.load %arg0[%get3A_3, %get3A_4, %get3A_5] : memref<2x10000x128xf32, #tpu.memory_space<vmem>>, vector<1x10000x128xf32>
    %get3A_7 = vector.shape_cast %get3A_6 : vector<1x10000x128xf32> to vector<10000x128xf32>
    %get3A_8 = arith.constant 1 : index
    %get3A_9 = arith.constant 0 : index
    %get3A_10 = arith.constant 0 : index
    %get3A_11 = vector.load %arg0[%get3A_8, %get3A_9, %get3A_10] : memref<2x10000x128xf32, #tpu.memory_space<vmem>>, vector<1x10000x128xf32>
    %get3A_12 = vector.shape_cast %get3A_11 : vector<1x10000x128xf32> to vector<10000x128xf32>
    %add3A = arith.addf %get3A_7, %get3A_12 : vector<10000x128xf32>
    %mul3A = vector.broadcast %rsqrt3A : vector<10000x1xf32> to vector<10000x128xf32>
    %mul3A_13 = arith.mulf %add3A, %mul3A : vector<10000x128xf32>
    %get3A_14 = arith.constant 0 : index
    %get3A_15 = vector.load %arg2[%get3A_14] : memref<128xf32, #tpu.memory_space<vmem>>, vector<128xf32>
    %broadcast_in_dim3A = vector.shape_cast %get3A_15 : vector<128xf32> to vector<1x128xf32>
    %add3A_16 = vector.broadcast %broadcast_in_dim3A : vector<1x128xf32> to vector<10000x128xf32>
    %add3A_17 = arith.addf %mul3A_13, %add3A_16 : vector<10000x128xf32>
    %max3A_18 = arith.constant 0.000000e+00 : f32
    %max3A_19 = vector.broadcast %max3A_18 : f32 to vector<10000x128xf32>
    %max3A_20 = arith.maximumf %add3A_17, %max3A_19 : vector<10000x128xf32>
    %get3A_21 = arith.constant 0 : index
    %get3A_22 = arith.constant 0 : index
    %get3A_23 = vector.load %arg3[%get3A_21, %get3A_22] : memref<128x1xf32, #tpu.memory_space<vmem>>, vector<128x1xf32>
    %dot_general3A = arith.constant dense<0.000000e+00> : vector<10000x1xf32>
    %dot_general3A_24 = tpu.matmul %max3A_20, %get3A_23, %dot_general3A {dimension_numbers = #tpu.dot_dimension_numbers<[1], [0], [0], [1], [0, 0, 1, 1], [], []>, transpose_lhs_hint = false} : vector<10000x128xf32>, vector<128x1xf32>, vector<10000x1xf32> -> vector<10000x1xf32>
    %get3A_25 = arith.constant 0 : index
    %get3A_26 = vector.load %arg4[%get3A_25] : memref<1xf32, #tpu.memory_space<vmem>>, vector<1xf32>
    %broadcast_in_dim3A_27 = vector.shape_cast %get3A_26 : vector<1xf32> to vector<1x1xf32>
    %add3A_28 = vector.broadcast %broadcast_in_dim3A_27 : vector<1x1xf32> to vector<10000x1xf32>
    %add3A_29 = arith.addf %dot_general3A_24, %add3A_28 : vector<10000x1xf32>
    %swap3A = arith.constant 0 : index
    %swap3A_30 = arith.constant 0 : index
    %swap3A_31 = vector.load %arg5[%swap3A, %swap3A_30] : memref<10000x1xf32, #tpu.memory_space<vmem>>, vector<10000x1xf32>
    tpu.vector_store %arg5[%swap3A, %swap3A_30], %add3A_29 {strides = array<i32>} : memref<10000x1xf32, #tpu.memory_space<vmem>>, vector<10000x1xf32>,
    return
  }
}

</mosaic_0001>

<sc_bundles>
// kernel: kernel.11.cloned.1.call-start
scs
__scs_entry_jumppad:
0x0: {  	(pc) =	sbr.rel $0x88, $3  }
0x1: {  	(tag) =	ssettag $0x0;
	lr =	simm.s32 $0x1  }
0x2: {  	[smem:$0x3F98] =	sst lr;
	_ =	strace $0xD0000000  }
0x3: {  	_ = 	snop  }
0x4: {  	_ = 	snop  }
0x5: {  	_ = 	snop  }
0x6: {  	_ = 	snop  }
0x7: {  	_ = 	snop  }
__scs_overlays_trampoline_lowered:
0x8: {  	[smem:$0x3FA7] =	sst s0  }
0x9: {  	[smem:$0x3FA8] =	sst s1  }
0xa: {  	[smem:$0x3FA9] =	sst s2  }
0xb: {  	[smem:$0x3FAA] =	sst s3  }
0xc: {  	[smem:$0x3FAB] =	sst s4  }
0xd: {  	[smem:$0x3FAC] =	sst s5  }
0xe: {  	[smem:$0x3FAD] =	sst s6  }
0xf: {  	[smem:$0x3FAE] =	sst s7  }
0x10: {  	[smem:$0x3FAF] =	sst s8  }
0x11: {  	[smem:$0x3FB0] =	sst s9;
	s0 =	simm.s32 @!p0 $0x0  }
0x12: {  	s1 =	sld [smem:$0x3F96];
	s0 =	simm.s32 @p0 $0x1  }
0x13: {  	[smem:$0x3FB1] =	sst s0;
	s0 =	simm.s32 @!p1 $0x0  }
0x14: {  	s2 =	sld [smem:$0x3F95];
	s0 =	simm.s32 @p1 $0x1  }
0x15: {  	[smem:$0x3FB2] =	sst s0;
	s0 =	simm.s32 @!p2 $0x0  }
0x16: {  	s3 =	sld [smem:$0x3FDB];
	s0 =	simm.s32 @p2 $0x1  }
0x17: {  	s4 =	simm.s32 $0x1BF5;
	[smem:$0x3FB4] =	sst s0  }
0x18: {  	s0 =	sld [smem:$0x3F97];
	_ =	swait.ge [sflag:s4], $0x0  }
0x19: {  	s7 =	sld [smem:$0x3F98]  }
0x1a: {  	s8 =	sadd.s32 $0xFFFFE003, lr  }
0x1b: {  	s9 =	sadd.s32 $0xFFFFFEF7, lr;
	s5 =	simm.s32 $0xFFFFFFFF;
	p2 =	slt.u32 s8, $0xFFFFF086  }
0x1c: {  	p1 =	slt.u32 s9, $0xF7A;
	s5 =	simm.s32 @!p2 $0x0  }
0x1d: {  	s5 =	simm.s32 @p1 $0x1;
	p0 =	seq.s32 s7, s2  }
0x1e: {  	s7 =	smul.u32 @!p0 $0xF7A, s2;
	p2 =	seq.s32 @!p0 s5, $0x0  }
0x1f: {  	s9 =	smul.u32 $0xF7A, s1;
	s8 =	simm.s32 @!p0 $0x1BF5;
	p2 =	por !p2, p0  }
0x20: {  	[sflag:s8] =	ssyncset.s32 @!p0 $0xFFFFF086;
	s6 =	sadd.s32 @!p0 s3, s7;
	s7 =	simm.s32 @!p0 $0x108  }
0x21: {  	s3 =	sadd.s32 s3, s9;
	s6 =	sadd.s32 @!p0 $0x88, s6;
	s7 =	simm.s32 @p2 $0x1082  }
0x22: {  	[simem:s7], [sflag:s8] =	dma.local @!p0 [hbm:s6], $0xF7A  }
0x23: {  	s9 =	sor.u32 $0xD0000000, s2;
	s6 =	simm.s32 $0x108;
	_ =	swait.ge @!p0 [sflag:s8], $0x0  }
0x24: {  	s3 =	sadd.s32 $0x88, s3;
	s6 =	simm.s32 @!p1 $0x1082;
	[sflag:s4] =	ssyncset.s32 $0xFFFFF086  }
0x25: {  	[simem:s6], [sflag:s4] =	dma.local [hbm:s3], $0xF7A  }
0x26: {  	[smem:$0x3F98] =	sst s1;
	(tag) =	ssettag s2;
	_ =	strace s9  }
0x27: {  	s1 =	sld [smem:$0x3FA8]  }
0x28: {  	s2 =	sld [smem:$0x3FA9]  }
0x29: {  	s4 =	sld [smem:$0x3FAB]  }
0x2a: {  	p0 =	seq.s32 s5, $0x0;
	s5 =	sld [smem:$0x3FAC]  }
0x2b: {  	s6 =	sld [smem:$0x3FAD]  }
0x2c: {  	s7 =	sld [smem:$0x3FAE]  }
0x2d: {  	s3 =	simm.s32 $0x108;
	s8 =	sld [smem:$0x3FAF]  }
0x2e: {  	s3 =	simm.s32 @!p0 $0x1082;
	s9 =	sld [smem:$0x3FB0]  }
0x2f: {  	lr =	sadd.s32 s0, s3;
	s0 =	sld [smem:$0x3FA7]  }
0x30: {  	s3 =	sld [smem:$0x3FAA]  }
0x31: {  	[smem:$0x3FB3] =	sst s10  }
0x32: {  	s10 =	sld [smem:$0x3FB1];
	_ =	sdelay $0x3  }
0x33: {  	p0 =	seq.s32 s10, $0x1;
	s10 =	sld [smem:$0x3FB3];
	_ =	sdelay $0x3  }
0x34: {  	[smem:$0x3FB3] =	sst s10  }
0x35: {  	s10 =	sld [smem:$0x3FB2];
	_ =	sdelay $0x3  }
0x36: {  	p1 =	seq.s32 s10, $0x1;
	s10 =	sld [smem:$0x3FB3];
	_ =	sdelay $0x3  }
0x37: {  	[smem:$0x3FB3] =	sst s10  }
0x38: {  	s10 =	sld [smem:$0x3FB4]  }
0x39: {  	_ = 	snop;
	(pc) =	sbr.ind lr, $3  }
0x3a: {  	_ = 	snop  }
0x3b: {  	_ = 	snop  }
0x3c: {  	p2 =	seq.s32 s10, $0x1;
	s10 =	sld [smem:$0x3FB3]  }
0x3d: {  	_ =	shalt  }
0x3e: {  	_ =	shalt  }
0x3f: {  	_ =	shalt  }
0x40: {  	_ =	shalt  }
0x41: {  	_ =	shalt  }
0x42: {  	_ =	shalt  }
0x43: {  	_ =	shalt  }
0x44: {  	_ =	shalt  }
0x45: {  	_ =	shalt  }
0x46: {  	_ =	shalt  }
0x47: {  	_ =	shalt  }
0x48: {  	_ =	shalt  }
0x49: {  	_ =	shalt  }
0x4a: {  	_ =	shalt  }
0x4b: {  	_ =	shalt  }
0x4c: {  	_ =	shalt  }
0x4d: {  	_ =	shalt  }
0x4e: {  	_ =	shalt  }
0x4f: {  	_ =	shalt  }
0x50: {  	_ =	shalt  }
0x51: {  	_ =	shalt  }
0x52: {  	_ =	shalt  }
0x53: {  	_ =	shalt  }
0x54: {  	_ =	shalt  }
0x55: {  	_ =	shalt  }
0x56: {  	_ =	shalt  }
0x57: {  	_ =	shalt  }
0x58: {  	_ =	shalt  }
0x59: {  	_ =	shalt  }
0x5a: {  	_ =	shalt  }
0x5b: {  	_ =	shalt  }
0x5c: {  	_ =	shalt  }
0x5d: {  	_ =	shalt  }
0x5e: {  	_ =	shalt  }
0x5f: {  	_ =	shalt  }
0x60: {  	_ =	shalt  }
0x61: {  	_ =	shalt  }
0x62: {  	_ =	shalt  }
0x63: {  	_ =	shalt  }
0x64: {  	_ =	shalt  }
0x65: {  	_ =	shalt  }
0x66: {  	_ =	shalt  }
0x67: {  	_ =	shalt  }
0x68: {  	_ =	shalt  }
0x69: {  	_ =	shalt  }
0x6a: {  	_ =	shalt  }
0x6b: {  	_ =	shalt  }
0x6c: {  	_ =	shalt  }
0x6d: {  	_ =	shalt  }
0x6e: {  	_ =	shalt  }
0x6f: {  	_ =	shalt  }
0x70: {  	_ =	shalt  }
0x71: {  	_ =	shalt  }
0x72: {  	_ =	shalt  }
0x73: {  	_ =	shalt  }
0x74: {  	_ =	shalt  }
0x75: {  	_ =	shalt  }
0x76: {  	_ =	shalt  }
0x77: {  	_ =	shalt  }
0x78: {  	_ =	shalt  }
0x79: {  	_ =	shalt  }
0x7a: {  	_ =	shalt  }
0x7b: {  	_ =	shalt  }
0x7c: {  	_ =	shalt  }
0x7d: {  	_ =	shalt  }
0x7e: {  	_ =	shalt  }
0x7f: {  	_ =	shalt  }
0x80: {  	_ =	shalt  }
0x81: {  	_ =	shalt  }
0x82: {  	_ =	shalt  }
0x83: {  	_ =	shalt  }
0x84: {  	_ =	shalt  }
0x85: {  	_ =	shalt  }
0x86: {  	_ =	shalt  }
0x87: {  	_ =	shalt  }
.Lfunc_end0:
.L_simem_size_0:
called_computation.1_lowered:
.L_overlay_start_0:
0x88: {  	s2 =	sld [smem:$0x3FD9]  }
0x89: {  	s3 =	sld [smem:$0x3FFE];
	_ =	sdelay $0x1  }
0x8a: {  	s1 =	srdreg.scid  }
0x8b: {  	s0 =	sand.u32 $0x1, s1  }
0x8c: {  	s16 =	sshll.u32 s0, $0xA;
	s2 =	sadd.s32 s3, s2  }
0x8d: {  	s2 =	sadd.s32 s2, s16  }
0x8e: {  	[smem:$0x3FBF] =	sst s2  }
0x8f: {  	_ = 	snop  }
0x90: {  	(tm) =	ssettm $0x1  }
0x91: {  	s17 =	sld [smem:$0x3FFB];
	_ =	sdelay $0x3  }
0x92: {  	_ =	strace s17  }
0x93: {  	s2 =	sld [smem:$0x3FFC];
	_ =	sdelay $0x3  }
0x94: {  	_ =	strace s2  }
0x95: {  	s2 =	sld [smem:$0x3FFD];
	_ =	sdelay $0x3  }
0x96: {  	_ =	strace s2  }
0x97: {  	_ =	strace $0x8FFFFFFF  }
0x98: {  	s18 =	sld [smem:$0x3FDB];
	_ =	sdelay $0x1  }
0x99: {  	s19 =	simm.s32 $_scs_section_size  }
0x9a: {  	s4 =	simm.s32 $_size__tile_overlayer_lowered;
	s5 =	simm.s32 $_tile_overlayer_lowered  }
0x9b: {  	s22 =	simm.s32 $0x1BFF;
	s21 =	sshll.u32 s5, $0x1;
	s2 =	sadd.s32 s19, s18  }
0x9c: {  	s6 =	simm.s32 $0x0;
	s20 =	sshll.u32 s4, $0x1;
	s4 =	sadd.s32 s21, s2  }
0x9d: {  	[timem:s6], [sflag:s22] =	dma.local [hbm:s4], s20  }
0x9e: {  	_ =	swait.ge [sflag:s22], s20  }
0x9f: {  	s3 =	ssub.s32 $0x0, s20;
	[sflag:s22] =	ssyncset.done $0x0  }
0xa0: {  	[sflag:s22] =	ssyncadd.s32 s3;
	_ =	sdelay $0x1  }
0xa1: {  	s23 =	simm.s32 $0x1B8B  }
0xa2: {  	_ =	swait.ge [sflag:s23], $0x1  }
0xa3: {  	[sflag:s23] =	ssyncset.done $0x0  }
0xa4: {  	s25 =	simm.s32 $0x1B8E;
	s24 =	sld [smem:$0x3FFE];
	[sflag:s23] =	ssyncadd.s32 $0xFFFFFFFF  }
0xa5: {  	s26 =	simm.s32 $execute0_lowered;
	[smem:$0x3FD2] =	sst s25  }
0xa6: {  	s4 =	sshll.u32 s26, $0x1;
	_ =	strace $0x80000049;
	[dreg:$0x1] =	wrdreg $0xFFFFFFFF  }
0xa7: {  	s28 =	simm.s32 $_size_execute0_lowered;
	s2 =	sadd.s32 s2, s4;
	[dreg:$0x0] =	wrdreg $0x0  }
0xa8: {  	s4 =	sshll.u32 s28, $0x1;
	[dreg:$0x2] =	wrdreg s2  }
0xa9: {  	[dreg:$0x3] =	wrdreg s4  }
0xaa: {  	[dreg:$0x4] =	wrdreg $0xC0  }
0xab: {  	_ =	task [dreg:s6], $0x5FFFF  }
0xac: {  	[dreg:$0x1] =	wrdreg $0xFFFFFFFF  }
0xad: {  	[dreg:$0x0] =	wrdreg $0x60  }
0xae: {  	[dreg:$0x2] =	wrdreg s24  }
0xaf: {  	[dreg:$0x3] =	wrdreg $0xB7000  }
0xb0: {  	[dreg:$0x4] =	wrdreg $0x9  }
0xb1: {  	_ =	task.clear_ibuf [dreg:s6], $0x5FFFF;
	_ =	strace $0x90000049  }
0xb2: {  	s29 =	simm.s32 $0x9;
	_ =	strace $0x8000004B  }
0xb3: {  	_ =	swait.ge [sflag:s29], $0x1  }
0xb4: {  	[sflag:s29] =	ssyncadd.s32 $0xFFFFFFFF  }
0xb5: {  	_ =	strace $0x9000004B  }
0xb6: {  	_ =	sfence  }
0xb7: {  	s30 =	sld [smem:$0x0];
	_ =	sdelay $0x2  }
0xb8: {  	s31 =	sshll.u32 s1, $0xD;
	s1 =	sshrl.u32 s1, $0x2  }
0xb9: {  	s3 =	sand.u32 $0x4000, s31;
	s1 =	sadd.s32 s1, s30  }
0xba: {  	s0 =	sor.u32 s3, s0;
	s1 =	sshll.u32 s1, $0x11  }
0xbb: {  	s0 =	sor.u32 s1, s0  }
0xbc: {  	s0 =	sadd.s32 $0x8F2B, s0  }
0xbd: {  	[sflag:s0] =	ssyncadd.remote.s32 $0x1  }
0xbe: {  	_ =	sfence.sel $0xFFFF  }
0xbf: {  	[dreg:$0x0] =	wrdreg $0xFFFFFFFF;
	(pc) =	sbr.abs _section_cstart, $3  }
0xc0: {  	[dreg:$0x1] =	wrdreg $0xFFFFFFFF  }
0xc1: {  	_ =	task.clear_ibuf [dreg:s6], $0x2FFFF;
	_ =	strace $0x9FFFFFFF  }
0xc2: {  	(tm) =	ssettm $0x7FFFFFFF  }
0xc3: {  	_ =	shalt  }
tec
execute0_lowered:
.L_overlay_start_1:
0x0: {  	(tag) =	ssettag $0x1  }
0x1: {  	s5 =	rddreg [dreg:$0x0]  }
0x2: {  	s2 =	rddreg [dreg:$0x1];
	s3 =	simm.s32 $0x0  }
0x3: {  	s1 =	stileid.u32;
	s4 =	srdreg.scid;
	s14 =	simm.s32 $0x3F00  }
0x4: {  	s15 =	simm.s32 $0x100;
	s16 =	simm.s32 $0x6700;
	s17 =	simm.s32 $0x200  }
0x5: {  	s18 =	simm.s32 $0x8F00;
	s19 =	simm.s32 $0x1;
	s20 =	simm.s32 $0x2  }
0x6: {  	s21 =	simm.s32 $0x3;
	s22 =	simm.s32 $0x4;
	s23 =	simm.s32 $0x5  }
0x7: {  	s24 =	simm.s32 $0x6;
	s28 =	simm.s32 $0x3E80;
	s29 =	simm.s32 $0x0  }
0x8: {  	[smem:$0x7FF] =	sst s3;
	s6 =	smul.u32 $0x278, s1;
	s7 =	sand.u32 $0x1, s4  }
0x9: {  	s4 =	sadd.s32 $0x21000, s5;
	s9 =	sadd.s32 $0x1C00, s5;
	s11 =	sshll.u32 s1, $0x1  }
0xa: {  	s8 =	smul.u32 $0x138800, s7;
	s12 =	ssub.s32 $0x2, s7;
	s7 =	sor.u32 s7, s11  }
0xb: {  	s31 =	sshll.u32 s1, $0x6;
	_ =	strace $0x8000004A;
	s30 =	smul.u32 $0x7D00, s7  }
0xc: {  	s6 =	smin.u32 s6, $0x2498;
	s26 =	sshrl.u32 s12, $0x1;
	s7 =	smul.u32 $0xFA0, s7  }
0xd: {  	s10 =	sshll.u32 s6, $0x4;
	s6 =	sshll.u32 s6, $0x7;
	s12 =	ssub.s32 s12, s26  }
0xe: {  	s26 =	simm.s32 $0x3D80;
	s10 =	sadd.s32 s10, s5;
	s8 =	sadd.s32 s8, s6  }
0xf: {  	s13 =	sadd.s32 s6, s2;
	s6 =	sor.u32 $0x1C07, s31;
	s7 =	sadd.s32 s9, s7  }
0x10: {  	s8 =	sshrl.u32 s8, $0x3;
	s11 =	sshrl.u32 s13, $0x3;
	s13 =	simm.s32 $0x50  }
0x11: {  	s25 =	sadd.s32 s8, s5;
	s5 =	sadd.s32 $0x48200, s10;
	s8 =	sshrl.u32 s30, $0x3  }
0x12: {  	s10 =	smax.u32 s12, $0x1;
	s12 =	simm.s32 $0x7;
	s8 =	sadd.s32 s9, s8  }
0x13: {  	s9 =	sadd.s32 $0x6F400, s25;
	s25 =	simm.s32 $0x3C80;
	s8 =	sadd.s32 $0x7E0, s8  }
.LBB2_1:
0x14: {  	[spmem:s11], [sflag:s6] =	dma.local [hbm:s5], $0x2780  }
0x15: {  	_ =	swait.ge [sflag:s12], $0x2780  }
0x16: {  	[sflag:s12] =	ssyncset.done $0x0  }
0x17: {  	[sflag:s12] =	ssyncadd.s32 $0xFFFFD880  }
0x18: {  	[bflag:$0x0] =	sbarrier.arrive $0xFFFF  }
0x19: {  	[tilespmem:s3], [sflag:$0x7] =	stream.linear.gather [hbm4b:s7+s3], $0x3F00, $0x38;
	[tilespmem:$0x1EF80] =	vst v63  }
0x1a: {  	_ =	swait.ge [sflag:s12], $0x3F00  }
0x1b: {  	[sflag:s12] =	ssyncset.done $0x0  }
0x1c: {  	[sflag:s12] =	ssyncadd.s32 $0xFFFFC100  }
0x1d: {  	[tilespmem:s14], [sflag:$0x1] =	stream.indirect.gather [hbm4b:s4+s13], $0x80, s3, s13, $0xb8;
	[tilespmem:$0x1EF80] =	vst v63  }
0x1e: {  	_ = 	snop  }
0x1f: {  	[tilespmem:s16], [sflag:$0x2] =	stream.indirect.gather [hbm4b:s4+s13], $0x80, s15, s13, $0xb8;
	[tilespmem:$0x1EF80] =	vst v63  }
0x20: {  	_ = 	snop  }
0x21: {  	[tilespmem:s18], [sflag:$0x3] =	stream.indirect.gather [hbm4b:s4+s13], $0x80, s17, s13, $0xb8;
	[tilespmem:$0x1EF80] =	vst v63  }
0x22: {  	_ =	swait.ge [sflag:s19], $0x2800  }
0x23: {  	[sflag:s19] =	ssyncset.done $0x0  }
0x24: {  	s30 =	simm.s32 $0x80;
	[sflag:s19] =	ssyncadd.s32 $0xFFFFD800  }
0x25: {  	[spmem:s2] =	stream.indirect.scatter.add.f32 [tilespmem:s14], [sflag:$0x4], $0x80, s30, s13, $0xb8;
	[tilespmem:$0x1EF80] =	vst v63  }
0x26: {  	_ =	swait.ge [sflag:s20], $0x2800  }
0x27: {  	[sflag:s20] =	ssyncset.done $0x0  }
0x28: {  	s30 =	simm.s32 $0x180;
	[sflag:s20] =	ssyncadd.s32 $0xFFFFD800  }
0x29: {  	[spmem:s2] =	stream.indirect.scatter.add.f32 [tilespmem:s16], [sflag:$0x5], $0x80, s30, s13, $0xb8;
	[tilespmem:$0x1EF80] =	vst v63  }
0x2a: {  	_ =	swait.ge [sflag:s21], $0x2800  }
0x2b: {  	[sflag:s21] =	ssyncset.done $0x0  }
0x2c: {  	s30 =	simm.s32 $0x280;
	[sflag:s21] =	ssyncadd.s32 $0xFFFFD800  }
0x2d: {  	[spmem:s2] =	stream.indirect.scatter.add.f32 [tilespmem:s18], [sflag:$0x6], $0x80, s30, s13, $0xb8;
	[tilespmem:$0x1EF80] =	vst v63  }
0x2e: {  	_ =	swait.ge [sflag:s22], $0x2800  }
0x2f: {  	[sflag:s22] =	ssyncset.done $0x0  }
0x30: {  	s30 =	simm.s32 $0x300;
	[sflag:s22] =	ssyncadd.s32 $0xFFFFD800  }
0x31: {  	[tilespmem:s14], [sflag:$0x1] =	stream.indirect.gather [hbm4b:s4+s13], $0x80, s30, s13, $0xb8;
	[tilespmem:$0x1EF80] =	vst v63  }
0x32: {  	_ =	swait.ge [sflag:s23], $0x2800  }
0x33: {  	[sflag:s23] =	ssyncset.done $0x0  }
0x34: {  	s30 =	simm.s32 $0x400;
	[sflag:s23] =	ssyncadd.s32 $0xFFFFD800  }
0x35: {  	[tilespmem:s16], [sflag:$0x2] =	stream.indirect.gather [hbm4b:s4+s13], $0x80, s30, s13, $0xb8;
	[tilespmem:$0x1EF80] =	vst v63  }
0x36: {  	_ =	swait.ge [sflag:s24], $0x2800  }
0x37: {  	[sflag:s24] =	ssyncset.done $0x0  }
0x38: {  	s31 =	simm.s32 $0x500;
	s30 =	simm.s32 $0xC00;
	[sflag:s24] =	ssyncadd.s32 $0xFFFFD800  }
.LBB2_2:
0x39: {  	[tilespmem:s18], [sflag:$0x3] =	stream.indirect.gather [hbm4b:s4+s13], $0x80, s31, s13, $0xb8;
	[tilespmem:$0x1EF80] =	vst v63  }
0x3a: {  	s31 =	smov.u32 s30  }
0x3b: {  	p0 =	sne.s32 s30, $0xE400;
	s30 =	sadd.s32 $0xC00, s30;
	_ =	swait.ge [sflag:s19], $0x2800  }
0x3c: {  	s31 =	sshra.s32 s31, $0x2;
	[sflag:s19] =	ssyncset.done $0x0  }
0x3d: {  	s0 =	sadd.s32 $0x80, s31;
	[sflag:s19] =	ssyncadd.s32 $0xFFFFD800  }
0x3e: {  	[spmem:s2] =	stream.indirect.scatter.add.f32 [tilespmem:s14], [sflag:$0x4], $0x80, s0, s13, $0xb8;
	[tilespmem:$0x1EF80] =	vst v63  }
0x3f: {  	_ =	swait.ge [sflag:s20], $0x2800  }
0x40: {  	[sflag:s20] =	ssyncset.done $0x0  }
0x41: {  	s0 =	sadd.s32 $0x180, s31;
	[sflag:s20] =	ssyncadd.s32 $0xFFFFD800  }
0x42: {  	[spmem:s2] =	stream.indirect.scatter.add.f32 [tilespmem:s16], [sflag:$0x5], $0x80, s0, s13, $0xb8;
	[tilespmem:$0x1EF80] =	vst v63  }
0x43: {  	_ =	swait.ge [sflag:s21], $0x2800  }
0x44: {  	[sflag:s21] =	ssyncset.done $0x0  }
0x45: {  	s0 =	sadd.s32 $0x280, s31;
	[sflag:s21] =	ssyncadd.s32 $0xFFFFD800  }
0x46: {  	[spmem:s2] =	stream.indirect.scatter.add.f32 [tilespmem:s18], [sflag:$0x6], $0x80, s0, s13, $0xb8;
	[tilespmem:$0x1EF80] =	vst v63  }
0x47: {  	_ =	swait.ge [sflag:s22], $0x2800  }
0x48: {  	[sflag:s22] =	ssyncset.done $0x0  }
0x49: {  	s0 =	sadd.s32 $0x300, s31;
	[sflag:s22] =	ssyncadd.s32 $0xFFFFD800  }
0x4a: {  	[tilespmem:s14], [sflag:$0x1] =	stream.indirect.gather [hbm4b:s4+s13], $0x80, s0, s13, $0xb8;
	[tilespmem:$0x1EF80] =	vst v63  }
0x4b: {  	_ =	swait.ge [sflag:s23], $0x2800  }
0x4c: {  	[sflag:s23] =	ssyncset.done $0x0  }
.Ltmp0:
0x4d: {  	s0 =	sadd.s32 $0x400, s31;
	[sflag:s23] =	ssyncadd.s32 $0xFFFFD800;
	(pc) =	sbr.rel @p0 .LBB2_2-.Ltmp0, $4  }
0x4e: {  	[tilespmem:s16], [sflag:$0x2] =	stream.indirect.gather [hbm4b:s4+s13], $0x80, s0, s13, $0xb8;
	[tilespmem:$0x1EF80] =	vst v63  }
0x4f: {  	_ =	swait.ge [sflag:s24], $0x2800  }
0x50: {  	[sflag:s24] =	ssyncset.done $0x0  }
0x51: {  	s31 =	sadd.s32 $0x500, s31;
	[sflag:s24] =	ssyncadd.s32 $0xFFFFD800  }
0x52: {  	[tilespmem:s18], [sflag:$0x3] =	stream.indirect.gather [hbm4b:s4+s13], $0x80, s31, s13, $0xb8;
	[tilespmem:$0x1EF80] =	vst v63  }
0x53: {  	_ =	swait.ge [sflag:s19], $0x2800  }
0x54: {  	[sflag:s19] =	ssyncset.done $0x0  }
0x55: {  	[sflag:s19] =	ssyncadd.s32 $0xFFFFD800  }
0x56: {  	[spmem:s2] =	stream.indirect.scatter.add.f32 [tilespmem:s14], [sflag:$0x4], $0x80, s25, s13, $0xb8;
	[tilespmem:$0x1EF80] =	vst v63  }
0x57: {  	_ =	swait.ge [sflag:s20], $0x2800  }
0x58: {  	[sflag:s20] =	ssyncset.done $0x0  }
0x59: {  	[sflag:s20] =	ssyncadd.s32 $0xFFFFD800  }
0x5a: {  	[spmem:s2] =	stream.indirect.scatter.add.f32 [tilespmem:s16], [sflag:$0x5], $0x80, s26, s13, $0xb8;
	[tilespmem:$0x1EF80] =	vst v63  }
0x5b: {  	_ =	swait.ge [sflag:s21], $0x2800  }
0x5c: {  	[sflag:s21] =	ssyncset.done $0x0  }
0x5d: {  	[sflag:s21] =	ssyncadd.s32 $0xFFFFD800  }
0x5e: {  	[spmem:s2] =	stream.indirect.scatter.add.f32 [tilespmem:s18], [sflag:$0x6], $0x80, s28, s13, $0xb8;
	[tilespmem:$0x1EF80] =	vst v63  }
0x5f: {  	_ =	swait.ge [sflag:s22], $0x2800  }
0x60: {  	[sflag:s22] =	ssyncset.done $0x0  }
0x61: {  	[sflag:s22] =	ssyncadd.s32 $0xFFFFD800  }
0x62: {  	_ =	swait.ge [sflag:s23], $0x2800  }
0x63: {  	[sflag:s23] =	ssyncset.done $0x0  }
0x64: {  	[sflag:s23] =	ssyncadd.s32 $0xFFFFD800  }
0x65: {  	_ =	swait.ge [sflag:s24], $0x2800  }
0x66: {  	[sflag:s24] =	ssyncset.done $0x0  }
0x67: {  	s0 =	simm.s32 $0x0;
	[sflag:s24] =	ssyncadd.s32 $0xFFFFD800  }
0x68: {  	[tilespmem:s0], [sflag:$0x7] =	stream.linear.gather [hbm4b:s8+s0], $0x3E00, $0x38;
	[tilespmem:$0x1EF80] =	vst v63  }
0x69: {  	_ =	swait.ge [sflag:s12], $0x3E00  }
0x6a: {  	[sflag:s12] =	ssyncset.done $0x0  }
0x6b: {  	[sflag:s12] =	ssyncadd.s32 $0xFFFFC200  }
0x6c: {  	[tilespmem:s14], [sflag:$0x1] =	stream.indirect.gather [hbm4b:s4+s13], $0x80, s0, s13, $0xb8;
	[tilespmem:$0x1EF80] =	vst v63  }
0x6d: {  	_ = 	snop  }
0x6e: {  	[tilespmem:s16], [sflag:$0x2] =	stream.indirect.gather [hbm4b:s4+s13], $0x80, s15, s13, $0xb8;
	[tilespmem:$0x1EF80] =	vst v63  }
0x6f: {  	_ = 	snop  }
0x70: {  	[tilespmem:s18], [sflag:$0x3] =	stream.indirect.gather [hbm4b:s4+s13], $0x80, s17, s13, $0xb8;
	[tilespmem:$0x1EF80] =	vst v63  }
0x71: {  	_ =	swait.ge [sflag:s19], $0x2800  }
0x72: {  	[sflag:s19] =	ssyncset.done $0x0  }
0x73: {  	s0 =	simm.s32 $0x80;
	[sflag:s19] =	ssyncadd.s32 $0xFFFFD800  }
0x74: {  	[spmem:s2] =	stream.indirect.scatter.add.f32 [tilespmem:s14], [sflag:$0x4], $0x80, s0, s13, $0xb8;
	[tilespmem:$0x1EF80] =	vst v63  }
0x75: {  	_ =	swait.ge [sflag:s20], $0x2800  }
0x76: {  	[sflag:s20] =	ssyncset.done $0x0  }
0x77: {  	s0 =	simm.s32 $0x180;
	[sflag:s20] =	ssyncadd.s32 $0xFFFFD800  }
0x78: {  	[spmem:s2] =	stream.indirect.scatter.add.f32 [tilespmem:s16], [sflag:$0x5], $0x80, s0, s13, $0xb8;
	[tilespmem:$0x1EF80] =	vst v63  }
0x79: {  	_ =	swait.ge [sflag:s21], $0x2800  }
0x7a: {  	[sflag:s21] =	ssyncset.done $0x0  }
0x7b: {  	s0 =	simm.s32 $0x280;
	[sflag:s21] =	ssyncadd.s32 $0xFFFFD800  }
0x7c: {  	[spmem:s2] =	stream.indirect.scatter.add.f32 [tilespmem:s18], [sflag:$0x6], $0x80, s0, s13, $0xb8;
	[tilespmem:$0x1EF80] =	vst v63  }
0x7d: {  	_ =	swait.ge [sflag:s22], $0x2800  }
0x7e: {  	[sflag:s22] =	ssyncset.done $0x0  }
0x7f: {  	s0 =	simm.s32 $0x300;
	[sflag:s22] =	ssyncadd.s32 $0xFFFFD800  }
0x80: {  	[tilespmem:s14], [sflag:$0x1] =	stream.indirect.gather [hbm4b:s4+s13], $0x80, s0, s13, $0xb8;
	[tilespmem:$0x1EF80] =	vst v63  }
0x81: {  	_ =	swait.ge [sflag:s23], $0x2800  }
0x82: {  	[sflag:s23] =	ssyncset.done $0x0  }
0x83: {  	s0 =	simm.s32 $0x400;
	[sflag:s23] =	ssyncadd.s32 $0xFFFFD800  }
0x84: {  	[tilespmem:s16], [sflag:$0x2] =	stream.indirect.gather [hbm4b:s4+s13], $0x80, s0, s13, $0xb8;
	[tilespmem:$0x1EF80] =	vst v63  }
0x85: {  	_ =	swait.ge [sflag:s24], $0x2800  }
0x86: {  	[sflag:s24] =	ssyncset.done $0x0  }
0x87: {  	s30 =	simm.s32 $0xC00;
	s31 =	simm.s32 $0x500;
	[sflag:s24] =	ssyncadd.s32 $0xFFFFD800  }
.LBB2_4:
0x88: {  	[tilespmem:s18], [sflag:$0x3] =	stream.indirect.gather [hbm4b:s4+s13], $0x80, s31, s13, $0xb8;
	[tilespmem:$0x1EF80] =	vst v63  }
0x89: {  	s0 =	smov.u32 s30;
	s30 =	sadd.s32 $0xC00, s30;
	_ =	swait.ge [sflag:s19], $0x2800  }
0x8a: {  	s0 =	sshra.s32 s0, $0x2;
	p0 =	sne.s32 s30, $0xE400;
	[sflag:s19] =	ssyncset.done $0x0  }
0x8b: {  	s31 =	sadd.s32 $0x80, s0;
	[sflag:s19] =	ssyncadd.s32 $0xFFFFD800  }
0x8c: {  	[spmem:s2] =	stream.indirect.scatter.add.f32 [tilespmem:s14], [sflag:$0x4], $0x80, s31, s13, $0xb8;
	[tilespmem:$0x1EF80] =	vst v63  }
0x8d: {  	_ =	swait.ge [sflag:s20], $0x2800  }
0x8e: {  	[sflag:s20] =	ssyncset.done $0x0  }
0x8f: {  	s31 =	sadd.s32 $0x180, s0;
	[sflag:s20] =	ssyncadd.s32 $0xFFFFD800  }
0x90: {  	[spmem:s2] =	stream.indirect.scatter.add.f32 [tilespmem:s16], [sflag:$0x5], $0x80, s31, s13, $0xb8;
	[tilespmem:$0x1EF80] =	vst v63  }
0x91: {  	_ =	swait.ge [sflag:s21], $0x2800  }
0x92: {  	[sflag:s21] =	ssyncset.done $0x0  }
0x93: {  	s31 =	sadd.s32 $0x280, s0;
	[sflag:s21] =	ssyncadd.s32 $0xFFFFD800  }
0x94: {  	[spmem:s2] =	stream.indirect.scatter.add.f32 [tilespmem:s18], [sflag:$0x6], $0x80, s31, s13, $0xb8;
	[tilespmem:$0x1EF80] =	vst v63  }
0x95: {  	_ =	swait.ge [sflag:s22], $0x2800  }
0x96: {  	[sflag:s22] =	ssyncset.done $0x0  }
0x97: {  	s31 =	sadd.s32 $0x300, s0;
	[sflag:s22] =	ssyncadd.s32 $0xFFFFD800  }
0x98: {  	[tilespmem:s14], [sflag:$0x1] =	stream.indirect.gather [hbm4b:s4+s13], $0x80, s31, s13, $0xb8;
	[tilespmem:$0x1EF80] =	vst v63  }
0x99: {  	_ =	swait.ge [sflag:s23], $0x2800  }
0x9a: {  	[sflag:s23] =	ssyncset.done $0x0  }
.Ltmp1:
0x9b: {  	s31 =	sadd.s32 $0x400, s0;
	[sflag:s23] =	ssyncadd.s32 $0xFFFFD800;
	(pc) =	sbr.rel @p0 .LBB2_4-.Ltmp1, $4  }
0x9c: {  	[tilespmem:s16], [sflag:$0x2] =	stream.indirect.gather [hbm4b:s4+s13], $0x80, s31, s13, $0xb8;
	[tilespmem:$0x1EF80] =	vst v63  }
0x9d: {  	_ =	swait.ge [sflag:s24], $0x2800  }
0x9e: {  	[sflag:s24] =	ssyncset.done $0x0  }
0x9f: {  	s31 =	sadd.s32 $0x500, s0;
	[sflag:s24] =	ssyncadd.s32 $0xFFFFD800  }
0xa0: {  	[tilespmem:s18], [sflag:$0x3] =	stream.indirect.gather [hbm4b:s4+s13], $0x80, s31, s13, $0xb8;
	[tilespmem:$0x1EF80] =	vst v63  }
0xa1: {  	_ =	swait.ge [sflag:s19], $0x2800  }
0xa2: {  	s0 =	sshra.s32 s30, $0x2;
	[sflag:s19] =	ssyncset.done $0x0  }
0xa3: {  	s30 =	sadd.s32 $0x80, s0;
	[sflag:s19] =	ssyncadd.s32 $0xFFFFD800  }
0xa4: {  	[spmem:s2] =	stream.indirect.scatter.add.f32 [tilespmem:s14], [sflag:$0x4], $0x80, s30, s13, $0xb8;
	[tilespmem:$0x1EF80] =	vst v63  }
0xa5: {  	_ =	swait.ge [sflag:s20], $0x2800  }
0xa6: {  	[sflag:s20] =	ssyncset.done $0x0  }
0xa7: {  	s31 =	sadd.s32 $0x180, s0;
	[sflag:s20] =	ssyncadd.s32 $0xFFFFD800  }
0xa8: {  	[spmem:s2] =	stream.indirect.scatter.add.f32 [tilespmem:s16], [sflag:$0x5], $0x80, s31, s13, $0xb8;
	[tilespmem:$0x1EF80] =	vst v63  }
0xa9: {  	_ =	swait.ge [sflag:s21], $0x2800  }
0xaa: {  	[sflag:s21] =	ssyncset.done $0x0  }
0xab: {  	s31 =	sadd.s32 $0x280, s0;
	[sflag:s21] =	ssyncadd.s32 $0xFFFFD800  }
0xac: {  	[spmem:s2] =	stream.indirect.scatter.add.f32 [tilespmem:s18], [sflag:$0x6], $0x80, s31, s13, $0xb8;
	[tilespmem:$0x1EF80] =	vst v63  }
0xad: {  	_ =	swait.ge [sflag:s22], $0x2800  }
0xae: {  	[sflag:s22] =	ssyncset.done $0x0  }
0xaf: {  	s31 =	sadd.s32 $0x300, s0;
	[sflag:s22] =	ssyncadd.s32 $0xFFFFD800  }
0xb0: {  	[tilespmem:s14], [sflag:$0x1] =	stream.indirect.gather [hbm4b:s4+s13], $0x80, s31, s13, $0xb8;
	[tilespmem:$0x1EF80] =	vst v63  }
0xb1: {  	_ =	swait.ge [sflag:s23], $0x2800  }
0xb2: {  	[sflag:s23] =	ssyncset.done $0x0  }
0xb3: {  	s0 =	sadd.s32 $0x400, s0;
	[sflag:s23] =	ssyncadd.s32 $0xFFFFD800  }
0xb4: {  	[tilespmem:s16], [sflag:$0x2] =	stream.indirect.gather [hbm4b:s4+s13], $0x80, s0, s13, $0xb8;
	[tilespmem:$0x1EF80] =	vst v63  }
0xb5: {  	_ =	swait.ge [sflag:s19], $0x2800  }
0xb6: {  	[sflag:s19] =	ssyncset.done $0x0  }
0xb7: {  	[sflag:s19] =	ssyncadd.s32 $0xFFFFD800  }
0xb8: {  	[spmem:s2] =	stream.indirect.scatter.add.f32 [tilespmem:s14], [sflag:$0x4], $0x80, s25, s13, $0xb8;
	[tilespmem:$0x1EF80] =	vst v63  }
0xb9: {  	_ =	swait.ge [sflag:s20], $0x2800  }
0xba: {  	[sflag:s20] =	ssyncset.done $0x0  }
0xbb: {  	[sflag:s20] =	ssyncadd.s32 $0xFFFFD800  }
0xbc: {  	[spmem:s2] =	stream.indirect.scatter.add.f32 [tilespmem:s16], [sflag:$0x5], $0x80, s26, s13, $0xb8;
	[tilespmem:$0x1EF80] =	vst v63  }
0xbd: {  	_ =	swait.ge [sflag:s24], $0x2800  }
0xbe: {  	[sflag:s24] =	ssyncset.done $0x0  }
0xbf: {  	[sflag:s24] =	ssyncadd.s32 $0xFFFFD800  }
0xc0: {  	_ =	swait.ge [sflag:s22], $0x2800  }
0xc1: {  	[sflag:s22] =	ssyncset.done $0x0  }
0xc2: {  	[sflag:s22] =	ssyncadd.s32 $0xFFFFD800  }
0xc3: {  	_ =	swait.ge [sflag:s23], $0x2800  }
0xc4: {  	s29 =	sadd.s32 $0x1, s29;
	[sflag:s23] =	ssyncset.done $0x0  }
0xc5: {  	p0 =	sne.s32 s29, s10;
	[sflag:s23] =	ssyncadd.s32 $0xFFFFD800  }
.Ltmp2:
0xc6: {  	[bflag:$0x0] =	sbarrier.arrive $0xFFFF;
	(pc) =	sbr.rel @p0 .LBB2_1-.Ltmp2, $4  }
0xc7: {  	[hbm:s9], [sflag:s6] =	dma.local [spmem:s11], $0x2780  }
0xc8: {  	_ =	swait.ge [sflag:s12], $0x2780  }
0xc9: {  	[sflag:s12] =	ssyncset.done $0x0  }
0xca: {  	[sflag:s12] =	ssyncadd.s32 $0xFFFFD880  }
0xcb: {  	_ =	sfence.sel $0x180000  }
0xcc: {  	[bflag:$0x0] =	sbarrier.arrive $0xFFFF  }
0xcd: {  	_ =	strace $0x9000004A  }
0xce: {  	[bflag:$0x2] =	sbarrier.arrive $0xFFFF  }
0xcf: {  	p0 =	sne.s32 s1, $0x0;
	s0 =	rddreg [dreg:$0x2]  }
0xd0: {  	s0 =	sadd.s32 @!p0 $0x100000, s0  }
0xd1: {  	[sflag:s0] =	ssyncadd.tile.s32 @!p0 $0x1;
	_ =	shalt  }
.Lfunc_end2:
_tile_overlayer_lowered:
.L_overlay_start_2:
0xd2: {  	(tag) =	ssettag $0x2  }
0xd3: {  	s0 =	rddreg [dreg:$0x0];
	s2 =	stileid.u32  }
0xd4: {  	s1 =	rddreg [dreg:$0x1];
	p0 =	sne.s32 s2, $0x0  }
0xd5: {  	s3 =	rddreg [dreg:$0x2];
	[bflag:$0x3] =	sbarrier.arrive $0xFFFF;
	s2 =	simm.s32 @!p0 $0x1C07  }
0xd6: {  	[timem:s3], [sflag:s2] =	dma.local @!p0 [hbm:s0], s1  }
0xd7: {  	s0 =	simm.s32 @!p0 $0x7  }
0xd8: {  	_ =	swait.ge @!p0 [sflag:s0], s1  }
0xd9: {  	s1 =	ssub.s32 @!p0 $0x0, s1;
	[sflag:s0] =	ssyncset.done @!p0 $0x0  }
0xda: {  	[sflag:s0] =	ssyncadd.s32 @!p0 s1  }
0xdb: {  	[bflag:$0x3] =	sbarrier.arrive $0xFFFF  }
0xdc: {  	_ =	shalt  }

// kernel: kernel.8.cloned.1.call-start
scs
__scs_entry_jumppad:
0x0: {  	(pc) =	sbr.rel $0x88, $3  }
0x1: {  	(tag) =	ssettag $0x0;
	lr =	simm.s32 $0x1  }
0x2: {  	[smem:$0x3F98] =	sst lr;
	_ =	strace $0xD0000000  }
0x3: {  	_ = 	snop  }
0x4: {  	_ = 	snop  }
0x5: {  	_ = 	snop  }
0x6: {  	_ = 	snop  }
0x7: {  	_ = 	snop  }
__scs_overlays_trampoline_lowered:
0x8: {  	[smem:$0x3FA7] =	sst s0  }
0x9: {  	[smem:$0x3FA8] =	sst s1  }
0xa: {  	[smem:$0x3FA9] =	sst s2  }
0xb: {  	[smem:$0x3FAA] =	sst s3  }
0xc: {  	[smem:$0x3FAB] =	sst s4  }
0xd: {  	[smem:$0x3FAC] =	sst s5  }
0xe: {  	[smem:$0x3FAD] =	sst s6  }
0xf: {  	[smem:$0x3FAE] =	sst s7  }
0x10: {  	[smem:$0x3FAF] =	sst s8  }
0x11: {  	[smem:$0x3FB0] =	sst s9;
	s0 =	simm.s32 @!p0 $0x0  }
0x12: {  	s1 =	sld [smem:$0x3F96];
	s0 =	simm.s32 @p0 $0x1  }
0x13: {  	[smem:$0x3FB1] =	sst s0;
	s0 =	simm.s32 @!p1 $0x0  }
0x14: {  	s2 =	sld [smem:$0x3F95];
	s0 =	simm.s32 @p1 $0x1  }
0x15: {  	[smem:$0x3FB2] =	sst s0;
	s0 =	simm.s32 @!p2 $0x0  }
0x16: {  	s3 =	sld [smem:$0x3FDB];
	s0 =	simm.s32 @p2 $0x1  }
0x17: {  	s4 =	simm.s32 $0x1BF5;
	[smem:$0x3FB4] =	sst s0  }
0x18: {  	s0 =	sld [smem:$0x3F97];
	_ =	swait.ge [sflag:s4], $0x0  }
0x19: {  	s7 =	sld [smem:$0x3F98]  }
0x1a: {  	s8 =	sadd.s32 $0xFFFFE003, lr  }
0x1b: {  	s9 =	sadd.s32 $0xFFFFFEF7, lr;
	s5 =	simm.s32 $0xFFFFFFFF;
	p2 =	slt.u32 s8, $0xFFFFF086  }
0x1c: {  	p1 =	slt.u32 s9, $0xF7A;
	s5 =	simm.s32 @!p2 $0x0  }
0x1d: {  	s5 =	simm.s32 @p1 $0x1;
	p0 =	seq.s32 s7, s2  }
0x1e: {  	s7 =	smul.u32 @!p0 $0xF7A, s2;
	p2 =	seq.s32 @!p0 s5, $0x0  }
0x1f: {  	s9 =	smul.u32 $0xF7A, s1;
	s8 =	simm.s32 @!p0 $0x1BF5;
	p2 =	por !p2, p0  }
0x20: {  	[sflag:s8] =	ssyncset.s32 @!p0 $0xFFFFF086;
	s6 =	sadd.s32 @!p0 s3, s7;
	s7 =	simm.s32 @!p0 $0x108  }
0x21: {  	s3 =	sadd.s32 s3, s9;
	s6 =	sadd.s32 @!p0 $0x88, s6;
	s7 =	simm.s32 @p2 $0x1082  }
0x22: {  	[simem:s7], [sflag:s8] =	dma.local @!p0 [hbm:s6], $0xF7A  }
0x23: {  	s9 =	sor.u32 $0xD0000000, s2;
	s6 =	simm.s32 $0x108;
	_ =	swait.ge @!p0 [sflag:s8], $0x0  }
0x24: {  	s3 =	sadd.s32 $0x88, s3;
	s6 =	simm.s32 @!p1 $0x1082;
	[sflag:s4] =	ssyncset.s32 $0xFFFFF086  }
0x25: {  	[simem:s6], [sflag:s4] =	dma.local [hbm:s3], $0xF7A  }
0x26: {  	[smem:$0x3F98] =	sst s1;
	(tag) =	ssettag s2;
	_ =	strace s9  }
0x27: {  	s1 =	sld [smem:$0x3FA8]  }
0x28: {  	s2 =	sld [smem:$0x3FA9]  }
0x29: {  	s4 =	sld [smem:$0x3FAB]  }
0x2a: {  	p0 =	seq.s32 s5, $0x0;
	s5 =	sld [smem:$0x3FAC]  }
0x2b: {  	s6 =	sld [smem:$0x3FAD]  }
0x2c: {  	s7 =	sld [smem:$0x3FAE]  }
0x2d: {  	s3 =	simm.s32 $0x108;
	s8 =	sld [smem:$0x3FAF]  }
0x2e: {  	s3 =	simm.s32 @!p0 $0x1082;
	s9 =	sld [smem:$0x3FB0]  }
0x2f: {  	lr =	sadd.s32 s0, s3;
	s0 =	sld [smem:$0x3FA7]  }
0x30: {  	s3 =	sld [smem:$0x3FAA]  }
0x31: {  	[smem:$0x3FB3] =	sst s10  }
0x32: {  	s10 =	sld [smem:$0x3FB1];
	_ =	sdelay $0x3  }
0x33: {  	p0 =	seq.s32 s10, $0x1;
	s10 =	sld [smem:$0x3FB3];
	_ =	sdelay $0x3  }
0x34: {  	[smem:$0x3FB3] =	sst s10  }
0x35: {  	s10 =	sld [smem:$0x3FB2];
	_ =	sdelay $0x3  }
0x36: {  	p1 =	seq.s32 s10, $0x1;
	s10 =	sld [smem:$0x3FB3];
	_ =	sdelay $0x3  }
0x37: {  	[smem:$0x3FB3] =	sst s10  }
0x38: {  	s10 =	sld [smem:$0x3FB4]  }
0x39: {  	_ = 	snop;
	(pc) =	sbr.ind lr, $3  }
0x3a: {  	_ = 	snop  }
0x3b: {  	_ = 	snop  }
0x3c: {  	p2 =	seq.s32 s10, $0x1;
	s10 =	sld [smem:$0x3FB3]  }
0x3d: {  	_ =	shalt  }
0x3e: {  	_ =	shalt  }
0x3f: {  	_ =	shalt  }
0x40: {  	_ =	shalt  }
0x41: {  	_ =	shalt  }
0x42: {  	_ =	shalt  }
0x43: {  	_ =	shalt  }
0x44: {  	_ =	shalt  }
0x45: {  	_ =	shalt  }
0x46: {  	_ =	shalt  }
0x47: {  	_ =	shalt  }
0x48: {  	_ =	shalt  }
0x49: {  	_ =	shalt  }
0x4a: {  	_ =	shalt  }
0x4b: {  	_ =	shalt  }
0x4c: {  	_ =	shalt  }
0x4d: {  	_ =	shalt  }
0x4e: {  	_ =	shalt  }
0x4f: {  	_ =	shalt  }
0x50: {  	_ =	shalt  }
0x51: {  	_ =	shalt  }
0x52: {  	_ =	shalt  }
0x53: {  	_ =	shalt  }
0x54: {  	_ =	shalt  }
0x55: {  	_ =	shalt  }
0x56: {  	_ =	shalt  }
0x57: {  	_ =	shalt  }
0x58: {  	_ =	shalt  }
0x59: {  	_ =	shalt  }
0x5a: {  	_ =	shalt  }
0x5b: {  	_ =	shalt  }
0x5c: {  	_ =	shalt  }
0x5d: {  	_ =	shalt  }
0x5e: {  	_ =	shalt  }
0x5f: {  	_ =	shalt  }
0x60: {  	_ =	shalt  }
0x61: {  	_ =	shalt  }
0x62: {  	_ =	shalt  }
0x63: {  	_ =	shalt  }
0x64: {  	_ =	shalt  }
0x65: {  	_ =	shalt  }
0x66: {  	_ =	shalt  }
0x67: {  	_ =	shalt  }
0x68: {  	_ =	shalt  }
0x69: {  	_ =	shalt  }
0x6a: {  	_ =	shalt  }
0x6b: {  	_ =	shalt  }
0x6c: {  	_ =	shalt  }
0x6d: {  	_ =	shalt  }
0x6e: {  	_ =	shalt  }
0x6f: {  	_ =	shalt  }
0x70: {  	_ =	shalt  }
0x71: {  	_ =	shalt  }
0x72: {  	_ =	shalt  }
0x73: {  	_ =	shalt  }
0x74: {  	_ =	shalt  }
0x75: {  	_ =	shalt  }
0x76: {  	_ =	shalt  }
0x77: {  	_ =	shalt  }
0x78: {  	_ =	shalt  }
0x79: {  	_ =	shalt  }
0x7a: {  	_ =	shalt  }
0x7b: {  	_ =	shalt  }
0x7c: {  	_ =	shalt  }
0x7d: {  	_ =	shalt  }
0x7e: {  	_ =	shalt  }
0x7f: {  	_ =	shalt  }
0x80: {  	_ =	shalt  }
0x81: {  	_ =	shalt  }
0x82: {  	_ =	shalt  }
0x83: {  	_ =	shalt  }
0x84: {  	_ =	shalt  }
0x85: {  	_ =	shalt  }
0x86: {  	_ =	shalt  }
0x87: {  	_ =	shalt  }
.Lfunc_end0:
.L_simem_size_0:
called_computation_lowered:
.L_overlay_start_0:
0x88: {  	s2 =	sld [smem:$0x3FD9]  }
0x89: {  	s3 =	sld [smem:$0x3FFE];
	_ =	sdelay $0x1  }
0x8a: {  	s1 =	srdreg.scid  }
0x8b: {  	s0 =	sand.u32 $0x1, s1  }
0x8c: {  	s16 =	sshll.u32 s0, $0xA;
	s2 =	sadd.s32 s3, s2  }
0x8d: {  	s2 =	sadd.s32 s2, s16  }
0x8e: {  	[smem:$0x3FBF] =	sst s2  }
0x8f: {  	_ = 	snop  }
0x90: {  	(tm) =	ssettm $0x1  }
0x91: {  	s17 =	sld [smem:$0x3FFB];
	_ =	sdelay $0x3  }
0x92: {  	_ =	strace s17  }
0x93: {  	s2 =	sld [smem:$0x3FFC];
	_ =	sdelay $0x3  }
0x94: {  	_ =	strace s2  }
0x95: {  	s2 =	sld [smem:$0x3FFD];
	_ =	sdelay $0x3  }
0x96: {  	_ =	strace s2  }
0x97: {  	_ =	strace $0x8FFFFFFF  }
0x98: {  	s18 =	sld [smem:$0x3FDB];
	_ =	sdelay $0x1  }
0x99: {  	s19 =	simm.s32 $_scs_section_size  }
0x9a: {  	s4 =	simm.s32 $_size__tile_overlayer_lowered;
	s5 =	simm.s32 $_tile_overlayer_lowered  }
0x9b: {  	s22 =	simm.s32 $0x1BFF;
	s21 =	sshll.u32 s5, $0x1;
	s2 =	sadd.s32 s19, s18  }
0x9c: {  	s6 =	simm.s32 $0x0;
	s20 =	sshll.u32 s4, $0x1;
	s4 =	sadd.s32 s21, s2  }
0x9d: {  	[timem:s6], [sflag:s22] =	dma.local [hbm:s4], s20  }
0x9e: {  	_ =	swait.ge [sflag:s22], s20  }
0x9f: {  	s3 =	ssub.s32 $0x0, s20;
	[sflag:s22] =	ssyncset.done $0x0  }
0xa0: {  	[sflag:s22] =	ssyncadd.s32 s3;
	_ =	sdelay $0x1  }
0xa1: {  	s23 =	simm.s32 $0x1B8B  }
0xa2: {  	_ =	swait.ge [sflag:s23], $0x1  }
0xa3: {  	[sflag:s23] =	ssyncset.done $0x0  }
0xa4: {  	s25 =	simm.s32 $0x1B8E;
	s24 =	sld [smem:$0x3FFE];
	[sflag:s23] =	ssyncadd.s32 $0xFFFFFFFF  }
0xa5: {  	s26 =	simm.s32 $execute0_lowered;
	[smem:$0x3FD2] =	sst s25  }
0xa6: {  	s4 =	sshll.u32 s26, $0x1;
	_ =	strace $0x80000046;
	[dreg:$0x1] =	wrdreg $0xFFFFFFFF  }
0xa7: {  	s28 =	simm.s32 $_size_execute0_lowered;
	s2 =	sadd.s32 s2, s4;
	[dreg:$0x0] =	wrdreg $0x0  }
0xa8: {  	s4 =	sshll.u32 s28, $0x1;
	[dreg:$0x2] =	wrdreg s2  }
0xa9: {  	[dreg:$0x3] =	wrdreg s4  }
0xaa: {  	[dreg:$0x4] =	wrdreg $0xC0  }
0xab: {  	_ =	task [dreg:s6], $0x5FFFF  }
0xac: {  	[dreg:$0x1] =	wrdreg $0xFFFFFFFF  }
0xad: {  	[dreg:$0x0] =	wrdreg $0x60  }
0xae: {  	[dreg:$0x2] =	wrdreg s24  }
0xaf: {  	[dreg:$0x3] =	wrdreg $0xB7000  }
0xb0: {  	[dreg:$0x4] =	wrdreg $0x9  }
0xb1: {  	_ =	task.clear_ibuf [dreg:s6], $0x5FFFF;
	_ =	strace $0x90000046  }
0xb2: {  	s29 =	simm.s32 $0x9;
	_ =	strace $0x80000048  }
0xb3: {  	_ =	swait.ge [sflag:s29], $0x1  }
0xb4: {  	[sflag:s29] =	ssyncadd.s32 $0xFFFFFFFF  }
0xb5: {  	_ =	strace $0x90000048  }
0xb6: {  	_ =	sfence  }
0xb7: {  	s30 =	sld [smem:$0x0];
	_ =	sdelay $0x2  }
0xb8: {  	s31 =	sshll.u32 s1, $0xD;
	s1 =	sshrl.u32 s1, $0x2  }
0xb9: {  	s3 =	sand.u32 $0x4000, s31;
	s1 =	sadd.s32 s1, s30  }
0xba: {  	s0 =	sor.u32 s3, s0;
	s1 =	sshll.u32 s1, $0x11  }
0xbb: {  	s0 =	sor.u32 s1, s0  }
0xbc: {  	s0 =	sadd.s32 $0x8F2B, s0  }
0xbd: {  	[sflag:s0] =	ssyncadd.remote.s32 $0x1  }
0xbe: {  	_ =	sfence.sel $0xFFFF  }
0xbf: {  	[dreg:$0x0] =	wrdreg $0xFFFFFFFF;
	(pc) =	sbr.abs _section_cstart, $3  }
0xc0: {  	[dreg:$0x1] =	wrdreg $0xFFFFFFFF  }
0xc1: {  	_ =	task.clear_ibuf [dreg:s6], $0x2FFFF;
	_ =	strace $0x9FFFFFFF  }
0xc2: {  	(tm) =	ssettm $0x7FFFFFFF  }
0xc3: {  	_ =	shalt  }
tec
execute0_lowered:
.L_overlay_start_1:
0x0: {  	(tag) =	ssettag $0x1  }
0x1: {  	s5 =	rddreg [dreg:$0x0]  }
0x2: {  	s2 =	rddreg [dreg:$0x1];
	s3 =	simm.s32 $0x0  }
0x3: {  	s1 =	stileid.u32;
	s4 =	srdreg.scid;
	s14 =	simm.s32 $0x3F00  }
0x4: {  	s15 =	simm.s32 $0x100;
	s16 =	simm.s32 $0x6700;
	s17 =	simm.s32 $0x200  }
0x5: {  	s18 =	simm.s32 $0x8F00;
	s19 =	simm.s32 $0x1;
	s20 =	simm.s32 $0x2  }
0x6: {  	s21 =	simm.s32 $0x3;
	s22 =	simm.s32 $0x4;
	s23 =	simm.s32 $0x5  }
0x7: {  	s24 =	simm.s32 $0x6;
	s28 =	simm.s32 $0x3E80;
	s29 =	simm.s32 $0x0  }
0x8: {  	[smem:$0x7FF] =	sst s3;
	s6 =	smul.u32 $0x278, s1;
	s7 =	sand.u32 $0x1, s4  }
0x9: {  	s4 =	sadd.s32 $0x21000, s5;
	s9 =	sadd.s32 $0x1C00, s5;
	s11 =	sshll.u32 s1, $0x1  }
0xa: {  	s8 =	smul.u32 $0x138800, s7;
	s12 =	ssub.s32 $0x2, s7;
	s7 =	sor.u32 s7, s11  }
0xb: {  	s31 =	sshll.u32 s1, $0x6;
	_ =	strace $0x80000047;
	s30 =	smul.u32 $0x7D00, s7  }
0xc: {  	s6 =	smin.u32 s6, $0x2498;
	s26 =	sshrl.u32 s12, $0x1;
	s7 =	smul.u32 $0xFA0, s7  }
0xd: {  	s10 =	sshll.u32 s6, $0x4;
	s6 =	sshll.u32 s6, $0x7;
	s12 =	ssub.s32 s12, s26  }
0xe: {  	s26 =	simm.s32 $0x3D80;
	s10 =	sadd.s32 s10, s5;
	s8 =	sadd.s32 s8, s6  }
0xf: {  	s13 =	sadd.s32 s6, s2;
	s6 =	sor.u32 $0x1C07, s31;
	s7 =	sadd.s32 s9, s7  }
0x10: {  	s8 =	sshrl.u32 s8, $0x3;
	s11 =	sshrl.u32 s13, $0x3;
	s13 =	simm.s32 $0x50  }
0x11: {  	s25 =	sadd.s32 s8, s5;
	s5 =	sadd.s32 $0x48200, s10;
	s8 =	sshrl.u32 s30, $0x3  }
0x12: {  	s10 =	smax.u32 s12, $0x1;
	s12 =	simm.s32 $0x7;
	s8 =	sadd.s32 s9, s8  }
0x13: {  	s9 =	sadd.s32 $0x6F400, s25;
	s25 =	simm.s32 $0x3C80;
	s8 =	sadd.s32 $0x7E0, s8  }
.LBB2_1:
0x14: {  	[spmem:s11], [sflag:s6] =	dma.local [hbm:s5], $0x2780  }
0x15: {  	_ =	swait.ge [sflag:s12], $0x2780  }
0x16: {  	[sflag:s12] =	ssyncset.done $0x0  }
0x17: {  	[sflag:s12] =	ssyncadd.s32 $0xFFFFD880  }
0x18: {  	[bflag:$0x0] =	sbarrier.arrive $0xFFFF  }
0x19: {  	[tilespmem:s3], [sflag:$0x7] =	stream.linear.gather [hbm4b:s7+s3], $0x3F00, $0x38;
	[tilespmem:$0x1EF80] =	vst v63  }
0x1a: {  	_ =	swait.ge [sflag:s12], $0x3F00  }
0x1b: {  	[sflag:s12] =	ssyncset.done $0x0  }
0x1c: {  	[sflag:s12] =	ssyncadd.s32 $0xFFFFC100  }
0x1d: {  	[tilespmem:s14], [sflag:$0x1] =	stream.indirect.gather [hbm4b:s4+s13], $0x80, s3, s13, $0xb8;
	[tilespmem:$0x1EF80] =	vst v63  }
0x1e: {  	_ = 	snop  }
0x1f: {  	[tilespmem:s16], [sflag:$0x2] =	stream.indirect.gather [hbm4b:s4+s13], $0x80, s15, s13, $0xb8;
	[tilespmem:$0x1EF80] =	vst v63  }
0x20: {  	_ = 	snop  }
0x21: {  	[tilespmem:s18], [sflag:$0x3] =	stream.indirect.gather [hbm4b:s4+s13], $0x80, s17, s13, $0xb8;
	[tilespmem:$0x1EF80] =	vst v63  }
0x22: {  	_ =	swait.ge [sflag:s19], $0x2800  }
0x23: {  	[sflag:s19] =	ssyncset.done $0x0  }
0x24: {  	s30 =	simm.s32 $0x80;
	[sflag:s19] =	ssyncadd.s32 $0xFFFFD800  }
0x25: {  	[spmem:s2] =	stream.indirect.scatter.add.f32 [tilespmem:s14], [sflag:$0x4], $0x80, s30, s13, $0xb8;
	[tilespmem:$0x1EF80] =	vst v63  }
0x26: {  	_ =	swait.ge [sflag:s20], $0x2800  }
0x27: {  	[sflag:s20] =	ssyncset.done $0x0  }
0x28: {  	s30 =	simm.s32 $0x180;
	[sflag:s20] =	ssyncadd.s32 $0xFFFFD800  }
0x29: {  	[spmem:s2] =	stream.indirect.scatter.add.f32 [tilespmem:s16], [sflag:$0x5], $0x80, s30, s13, $0xb8;
	[tilespmem:$0x1EF80] =	vst v63  }
0x2a: {  	_ =	swait.ge [sflag:s21], $0x2800  }
0x2b: {  	[sflag:s21] =	ssyncset.done $0x0  }
0x2c: {  	s30 =	simm.s32 $0x280;
	[sflag:s21] =	ssyncadd.s32 $0xFFFFD800  }
0x2d: {  	[spmem:s2] =	stream.indirect.scatter.add.f32 [tilespmem:s18], [sflag:$0x6], $0x80, s30, s13, $0xb8;
	[tilespmem:$0x1EF80] =	vst v63  }
0x2e: {  	_ =	swait.ge [sflag:s22], $0x2800  }
0x2f: {  	[sflag:s22] =	ssyncset.done $0x0  }
0x30: {  	s30 =	simm.s32 $0x300;
	[sflag:s22] =	ssyncadd.s32 $0xFFFFD800  }
0x31: {  	[tilespmem:s14], [sflag:$0x1] =	stream.indirect.gather [hbm4b:s4+s13], $0x80, s30, s13, $0xb8;
	[tilespmem:$0x1EF80] =	vst v63  }
0x32: {  	_ =	swait.ge [sflag:s23], $0x2800  }
0x33: {  	[sflag:s23] =	ssyncset.done $0x0  }
0x34: {  	s30 =	simm.s32 $0x400;
	[sflag:s23] =	ssyncadd.s32 $0xFFFFD800  }
0x35: {  	[tilespmem:s16], [sflag:$0x2] =	stream.indirect.gather [hbm4b:s4+s13], $0x80, s30, s13, $0xb8;
	[tilespmem:$0x1EF80] =	vst v63  }
0x36: {  	_ =	swait.ge [sflag:s24], $0x2800  }
0x37: {  	[sflag:s24] =	ssyncset.done $0x0  }
0x38: {  	s31 =	simm.s32 $0x500;
	s30 =	simm.s32 $0xC00;
	[sflag:s24] =	ssyncadd.s32 $0xFFFFD800  }
.LBB2_2:
0x39: {  	[tilespmem:s18], [sflag:$0x3] =	stream.indirect.gather [hbm4b:s4+s13], $0x80, s31, s13, $0xb8;
	[tilespmem:$0x1EF80] =	vst v63  }
0x3a: {  	s31 =	smov.u32 s30  }
0x3b: {  	p0 =	sne.s32 s30, $0xE400;
	s30 =	sadd.s32 $0xC00, s30;
	_ =	swait.ge [sflag:s19], $0x2800  }
0x3c: {  	s31 =	sshra.s32 s31, $0x2;
	[sflag:s19] =	ssyncset.done $0x0  }
0x3d: {  	s0 =	sadd.s32 $0x80, s31;
	[sflag:s19] =	ssyncadd.s32 $0xFFFFD800  }
0x3e: {  	[spmem:s2] =	stream.indirect.scatter.add.f32 [tilespmem:s14], [sflag:$0x4], $0x80, s0, s13, $0xb8;
	[tilespmem:$0x1EF80] =	vst v63  }
0x3f: {  	_ =	swait.ge [sflag:s20], $0x2800  }
0x40: {  	[sflag:s20] =	ssyncset.done $0x0  }
0x41: {  	s0 =	sadd.s32 $0x180, s31;
	[sflag:s20] =	ssyncadd.s32 $0xFFFFD800  }
0x42: {  	[spmem:s2] =	stream.indirect.scatter.add.f32 [tilespmem:s16], [sflag:$0x5], $0x80, s0, s13, $0xb8;
	[tilespmem:$0x1EF80] =	vst v63  }
0x43: {  	_ =	swait.ge [sflag:s21], $0x2800  }
0x44: {  	[sflag:s21] =	ssyncset.done $0x0  }
0x45: {  	s0 =	sadd.s32 $0x280, s31;
	[sflag:s21] =	ssyncadd.s32 $0xFFFFD800  }
0x46: {  	[spmem:s2] =	stream.indirect.scatter.add.f32 [tilespmem:s18], [sflag:$0x6], $0x80, s0, s13, $0xb8;
	[tilespmem:$0x1EF80] =	vst v63  }
0x47: {  	_ =	swait.ge [sflag:s22], $0x2800  }
0x48: {  	[sflag:s22] =	ssyncset.done $0x0  }
0x49: {  	s0 =	sadd.s32 $0x300, s31;
	[sflag:s22] =	ssyncadd.s32 $0xFFFFD800  }
0x4a: {  	[tilespmem:s14], [sflag:$0x1] =	stream.indirect.gather [hbm4b:s4+s13], $0x80, s0, s13, $0xb8;
	[tilespmem:$0x1EF80] =	vst v63  }
0x4b: {  	_ =	swait.ge [sflag:s23], $0x2800  }
0x4c: {  	[sflag:s23] =	ssyncset.done $0x0  }
.Ltmp0:
0x4d: {  	s0 =	sadd.s32 $0x400, s31;
	[sflag:s23] =	ssyncadd.s32 $0xFFFFD800;
	(pc) =	sbr.rel @p0 .LBB2_2-.Ltmp0, $4  }
0x4e: {  	[tilespmem:s16], [sflag:$0x2] =	stream.indirect.gather [hbm4b:s4+s13], $0x80, s0, s13, $0xb8;
	[tilespmem:$0x1EF80] =	vst v63  }
0x4f: {  	_ =	swait.ge [sflag:s24], $0x2800  }
0x50: {  	[sflag:s24] =	ssyncset.done $0x0  }
0x51: {  	s31 =	sadd.s32 $0x500, s31;
	[sflag:s24] =	ssyncadd.s32 $0xFFFFD800  }
0x52: {  	[tilespmem:s18], [sflag:$0x3] =	stream.indirect.gather [hbm4b:s4+s13], $0x80, s31, s13, $0xb8;
	[tilespmem:$0x1EF80] =	vst v63  }
0x53: {  	_ =	swait.ge [sflag:s19], $0x2800  }
0x54: {  	[sflag:s19] =	ssyncset.done $0x0  }
0x55: {  	[sflag:s19] =	ssyncadd.s32 $0xFFFFD800  }
0x56: {  	[spmem:s2] =	stream.indirect.scatter.add.f32 [tilespmem:s14], [sflag:$0x4], $0x80, s25, s13, $0xb8;
	[tilespmem:$0x1EF80] =	vst v63  }
0x57: {  	_ =	swait.ge [sflag:s20], $0x2800  }
0x58: {  	[sflag:s20] =	ssyncset.done $0x0  }
0x59: {  	[sflag:s20] =	ssyncadd.s32 $0xFFFFD800  }
0x5a: {  	[spmem:s2] =	stream.indirect.scatter.add.f32 [tilespmem:s16], [sflag:$0x5], $0x80, s26, s13, $0xb8;
	[tilespmem:$0x1EF80] =	vst v63  }
0x5b: {  	_ =	swait.ge [sflag:s21], $0x2800  }
0x5c: {  	[sflag:s21] =	ssyncset.done $0x0  }
0x5d: {  	[sflag:s21] =	ssyncadd.s32 $0xFFFFD800  }
0x5e: {  	[spmem:s2] =	stream.indirect.scatter.add.f32 [tilespmem:s18], [sflag:$0x6], $0x80, s28, s13, $0xb8;
	[tilespmem:$0x1EF80] =	vst v63  }
0x5f: {  	_ =	swait.ge [sflag:s22], $0x2800  }
0x60: {  	[sflag:s22] =	ssyncset.done $0x0  }
0x61: {  	[sflag:s22] =	ssyncadd.s32 $0xFFFFD800  }
0x62: {  	_ =	swait.ge [sflag:s23], $0x2800  }
0x63: {  	[sflag:s23] =	ssyncset.done $0x0  }
0x64: {  	[sflag:s23] =	ssyncadd.s32 $0xFFFFD800  }
0x65: {  	_ =	swait.ge [sflag:s24], $0x2800  }
0x66: {  	[sflag:s24] =	ssyncset.done $0x0  }
0x67: {  	s0 =	simm.s32 $0x0;
	[sflag:s24] =	ssyncadd.s32 $0xFFFFD800  }
0x68: {  	[tilespmem:s0], [sflag:$0x7] =	stream.linear.gather [hbm4b:s8+s0], $0x3E00, $0x38;
	[tilespmem:$0x1EF80] =	vst v63  }
0x69: {  	_ =	swait.ge [sflag:s12], $0x3E00  }
0x6a: {  	[sflag:s12] =	ssyncset.done $0x0  }
0x6b: {  	[sflag:s12] =	ssyncadd.s32 $0xFFFFC200  }
0x6c: {  	[tilespmem:s14], [sflag:$0x1] =	stream.indirect.gather [hbm4b:s4+s13], $0x80, s0, s13, $0xb8;
	[tilespmem:$0x1EF80] =	vst v63  }
0x6d: {  	_ = 	snop  }
0x6e: {  	[tilespmem:s16], [sflag:$0x2] =	stream.indirect.gather [hbm4b:s4+s13], $0x80, s15, s13, $0xb8;
	[tilespmem:$0x1EF80] =	vst v63  }
0x6f: {  	_ = 	snop  }
0x70: {  	[tilespmem:s18], [sflag:$0x3] =	stream.indirect.gather [hbm4b:s4+s13], $0x80, s17, s13, $0xb8;
	[tilespmem:$0x1EF80] =	vst v63  }
0x71: {  	_ =	swait.ge [sflag:s19], $0x2800  }
0x72: {  	[sflag:s19] =	ssyncset.done $0x0  }
0x73: {  	s0 =	simm.s32 $0x80;
	[sflag:s19] =	ssyncadd.s32 $0xFFFFD800  }
0x74: {  	[spmem:s2] =	stream.indirect.scatter.add.f32 [tilespmem:s14], [sflag:$0x4], $0x80, s0, s13, $0xb8;
	[tilespmem:$0x1EF80] =	vst v63  }
0x75: {  	_ =	swait.ge [sflag:s20], $0x2800  }
0x76: {  	[sflag:s20] =	ssyncset.done $0x0  }
0x77: {  	s0 =	simm.s32 $0x180;
	[sflag:s20] =	ssyncadd.s32 $0xFFFFD800  }
0x78: {  	[spmem:s2] =	stream.indirect.scatter.add.f32 [tilespmem:s16], [sflag:$0x5], $0x80, s0, s13, $0xb8;
	[tilespmem:$0x1EF80] =	vst v63  }
0x79: {  	_ =	swait.ge [sflag:s21], $0x2800  }
0x7a: {  	[sflag:s21] =	ssyncset.done $0x0  }
0x7b: {  	s0 =	simm.s32 $0x280;
	[sflag:s21] =	ssyncadd.s32 $0xFFFFD800  }
0x7c: {  	[spmem:s2] =	stream.indirect.scatter.add.f32 [tilespmem:s18], [sflag:$0x6], $0x80, s0, s13, $0xb8;
	[tilespmem:$0x1EF80] =	vst v63  }
0x7d: {  	_ =	swait.ge [sflag:s22], $0x2800  }
0x7e: {  	[sflag:s22] =	ssyncset.done $0x0  }
0x7f: {  	s0 =	simm.s32 $0x300;
	[sflag:s22] =	ssyncadd.s32 $0xFFFFD800  }
0x80: {  	[tilespmem:s14], [sflag:$0x1] =	stream.indirect.gather [hbm4b:s4+s13], $0x80, s0, s13, $0xb8;
	[tilespmem:$0x1EF80] =	vst v63  }
0x81: {  	_ =	swait.ge [sflag:s23], $0x2800  }
0x82: {  	[sflag:s23] =	ssyncset.done $0x0  }
0x83: {  	s0 =	simm.s32 $0x400;
	[sflag:s23] =	ssyncadd.s32 $0xFFFFD800  }
0x84: {  	[tilespmem:s16], [sflag:$0x2] =	stream.indirect.gather [hbm4b:s4+s13], $0x80, s0, s13, $0xb8;
	[tilespmem:$0x1EF80] =	vst v63  }
0x85: {  	_ =	swait.ge [sflag:s24], $0x2800  }
0x86: {  	[sflag:s24] =	ssyncset.done $0x0  }
0x87: {  	s30 =	simm.s32 $0xC00;
	s31 =	simm.s32 $0x500;
	[sflag:s24] =	ssyncadd.s32 $0xFFFFD800  }
.LBB2_4:
0x88: {  	[tilespmem:s18], [sflag:$0x3] =	stream.indirect.gather [hbm4b:s4+s13], $0x80, s31, s13, $0xb8;
	[tilespmem:$0x1EF80] =	vst v63  }
0x89: {  	s0 =	smov.u32 s30;
	s30 =	sadd.s32 $0xC00, s30;
	_ =	swait.ge [sflag:s19], $0x2800  }
0x8a: {  	s0 =	sshra.s32 s0, $0x2;
	p0 =	sne.s32 s30, $0xE400;
	[sflag:s19] =	ssyncset.done $0x0  }
0x8b: {  	s31 =	sadd.s32 $0x80, s0;
	[sflag:s19] =	ssyncadd.s32 $0xFFFFD800  }
0x8c: {  	[spmem:s2] =	stream.indirect.scatter.add.f32 [tilespmem:s14], [sflag:$0x4], $0x80, s31, s13, $0xb8;
	[tilespmem:$0x1EF80] =	vst v63  }
0x8d: {  	_ =	swait.ge [sflag:s20], $0x2800  }
0x8e: {  	[sflag:s20] =	ssyncset.done $0x0  }
0x8f: {  	s31 =	sadd.s32 $0x180, s0;
	[sflag:s20] =	ssyncadd.s32 $0xFFFFD800  }
0x90: {  	[spmem:s2] =	stream.indirect.scatter.add.f32 [tilespmem:s16], [sflag:$0x5], $0x80, s31, s13, $0xb8;
	[tilespmem:$0x1EF80] =	vst v63  }
0x91: {  	_ =	swait.ge [sflag:s21], $0x2800  }
0x92: {  	[sflag:s21] =	ssyncset.done $0x0  }
0x93: {  	s31 =	sadd.s32 $0x280, s0;
	[sflag:s21] =	ssyncadd.s32 $0xFFFFD800  }
0x94: {  	[spmem:s2] =	stream.indirect.scatter.add.f32 [tilespmem:s18], [sflag:$0x6], $0x80, s31, s13, $0xb8;
	[tilespmem:$0x1EF80] =	vst v63  }
0x95: {  	_ =	swait.ge [sflag:s22], $0x2800  }
0x96: {  	[sflag:s22] =	ssyncset.done $0x0  }
0x97: {  	s31 =	sadd.s32 $0x300, s0;
	[sflag:s22] =	ssyncadd.s32 $0xFFFFD800  }
0x98: {  	[tilespmem:s14], [sflag:$0x1] =	stream.indirect.gather [hbm4b:s4+s13], $0x80, s31, s13, $0xb8;
	[tilespmem:$0x1EF80] =	vst v63  }
0x99: {  	_ =	swait.ge [sflag:s23], $0x2800  }
0x9a: {  	[sflag:s23] =	ssyncset.done $0x0  }
.Ltmp1:
0x9b: {  	s31 =	sadd.s32 $0x400, s0;
	[sflag:s23] =	ssyncadd.s32 $0xFFFFD800;
	(pc) =	sbr.rel @p0 .LBB2_4-.Ltmp1, $4  }
0x9c: {  	[tilespmem:s16], [sflag:$0x2] =	stream.indirect.gather [hbm4b:s4+s13], $0x80, s31, s13, $0xb8;
	[tilespmem:$0x1EF80] =	vst v63  }
0x9d: {  	_ =	swait.ge [sflag:s24], $0x2800  }
0x9e: {  	[sflag:s24] =	ssyncset.done $0x0  }
0x9f: {  	s31 =	sadd.s32 $0x500, s0;
	[sflag:s24] =	ssyncadd.s32 $0xFFFFD800  }
0xa0: {  	[tilespmem:s18], [sflag:$0x3] =	stream.indirect.gather [hbm4b:s4+s13], $0x80, s31, s13, $0xb8;
	[tilespmem:$0x1EF80] =	vst v63  }
0xa1: {  	_ =	swait.ge [sflag:s19], $0x2800  }
0xa2: {  	s0 =	sshra.s32 s30, $0x2;
	[sflag:s19] =	ssyncset.done $0x0  }
0xa3: {  	s30 =	sadd.s32 $0x80, s0;
	[sflag:s19] =	ssyncadd.s32 $0xFFFFD800  }
0xa4: {  	[spmem:s2] =	stream.indirect.scatter.add.f32 [tilespmem:s14], [sflag:$0x4], $0x80, s30, s13, $0xb8;
	[tilespmem:$0x1EF80] =	vst v63  }
0xa5: {  	_ =	swait.ge [sflag:s20], $0x2800  }
0xa6: {  	[sflag:s20] =	ssyncset.done $0x0  }
0xa7: {  	s31 =	sadd.s32 $0x180, s0;
	[sflag:s20] =	ssyncadd.s32 $0xFFFFD800  }
0xa8: {  	[spmem:s2] =	stream.indirect.scatter.add.f32 [tilespmem:s16], [sflag:$0x5], $0x80, s31, s13, $0xb8;
	[tilespmem:$0x1EF80] =	vst v63  }
0xa9: {  	_ =	swait.ge [sflag:s21], $0x2800  }
0xaa: {  	[sflag:s21] =	ssyncset.done $0x0  }
0xab: {  	s31 =	sadd.s32 $0x280, s0;
	[sflag:s21] =	ssyncadd.s32 $0xFFFFD800  }
0xac: {  	[spmem:s2] =	stream.indirect.scatter.add.f32 [tilespmem:s18], [sflag:$0x6], $0x80, s31, s13, $0xb8;
	[tilespmem:$0x1EF80] =	vst v63  }
0xad: {  	_ =	swait.ge [sflag:s22], $0x2800  }
0xae: {  	[sflag:s22] =	ssyncset.done $0x0  }
0xaf: {  	s31 =	sadd.s32 $0x300, s0;
	[sflag:s22] =	ssyncadd.s32 $0xFFFFD800  }
0xb0: {  	[tilespmem:s14], [sflag:$0x1] =	stream.indirect.gather [hbm4b:s4+s13], $0x80, s31, s13, $0xb8;
	[tilespmem:$0x1EF80] =	vst v63  }
0xb1: {  	_ =	swait.ge [sflag:s23], $0x2800  }
0xb2: {  	[sflag:s23] =	ssyncset.done $0x0  }
0xb3: {  	s0 =	sadd.s32 $0x400, s0;
	[sflag:s23] =	ssyncadd.s32 $0xFFFFD800  }
0xb4: {  	[tilespmem:s16], [sflag:$0x2] =	stream.indirect.gather [hbm4b:s4+s13], $0x80, s0, s13, $0xb8;
	[tilespmem:$0x1EF80] =	vst v63  }
0xb5: {  	_ =	swait.ge [sflag:s19], $0x2800  }
0xb6: {  	[sflag:s19] =	ssyncset.done $0x0  }
0xb7: {  	[sflag:s19] =	ssyncadd.s32 $0xFFFFD800  }
0xb8: {  	[spmem:s2] =	stream.indirect.scatter.add.f32 [tilespmem:s14], [sflag:$0x4], $0x80, s25, s13, $0xb8;
	[tilespmem:$0x1EF80] =	vst v63  }
0xb9: {  	_ =	swait.ge [sflag:s20], $0x2800  }
0xba: {  	[sflag:s20] =	ssyncset.done $0x0  }
0xbb: {  	[sflag:s20] =	ssyncadd.s32 $0xFFFFD800  }
0xbc: {  	[spmem:s2] =	stream.indirect.scatter.add.f32 [tilespmem:s16], [sflag:$0x5], $0x80, s26, s13, $0xb8;
	[tilespmem:$0x1EF80] =	vst v63  }
0xbd: {  	_ =	swait.ge [sflag:s24], $0x2800  }
0xbe: {  	[sflag:s24] =	ssyncset.done $0x0  }
0xbf: {  	[sflag:s24] =	ssyncadd.s32 $0xFFFFD800  }
0xc0: {  	_ =	swait.ge [sflag:s22], $0x2800  }
0xc1: {  	[sflag:s22] =	ssyncset.done $0x0  }
0xc2: {  	[sflag:s22] =	ssyncadd.s32 $0xFFFFD800  }
0xc3: {  	_ =	swait.ge [sflag:s23], $0x2800  }
0xc4: {  	s29 =	sadd.s32 $0x1, s29;
	[sflag:s23] =	ssyncset.done $0x0  }
0xc5: {  	p0 =	sne.s32 s29, s10;
	[sflag:s23] =	ssyncadd.s32 $0xFFFFD800  }
.Ltmp2:
0xc6: {  	[bflag:$0x0] =	sbarrier.arrive $0xFFFF;
	(pc) =	sbr.rel @p0 .LBB2_1-.Ltmp2, $4  }
0xc7: {  	[hbm:s9], [sflag:s6] =	dma.local [spmem:s11], $0x2780  }
0xc8: {  	_ =	swait.ge [sflag:s12], $0x2780  }
0xc9: {  	[sflag:s12] =	ssyncset.done $0x0  }
0xca: {  	[sflag:s12] =	ssyncadd.s32 $0xFFFFD880  }
0xcb: {  	_ =	sfence.sel $0x180000  }
0xcc: {  	[bflag:$0x0] =	sbarrier.arrive $0xFFFF  }
0xcd: {  	_ =	strace $0x90000047  }
0xce: {  	[bflag:$0x2] =	sbarrier.arrive $0xFFFF  }
0xcf: {  	p0 =	sne.s32 s1, $0x0;
	s0 =	rddreg [dreg:$0x2]  }
0xd0: {  	s0 =	sadd.s32 @!p0 $0x100000, s0  }
0xd1: {  	[sflag:s0] =	ssyncadd.tile.s32 @!p0 $0x1;
	_ =	shalt  }
.Lfunc_end2:
_tile_overlayer_lowered:
.L_overlay_start_2:
0xd2: {  	(tag) =	ssettag $0x2  }
0xd3: {  	s0 =	rddreg [dreg:$0x0];
	s2 =	stileid.u32  }
0xd4: {  	s1 =	rddreg [dreg:$0x1];
	p0 =	sne.s32 s2, $0x0  }
0xd5: {  	s3 =	rddreg [dreg:$0x2];
	[bflag:$0x3] =	sbarrier.arrive $0xFFFF;
	s2 =	simm.s32 @!p0 $0x1C07  }
0xd6: {  	[timem:s3], [sflag:s2] =	dma.local @!p0 [hbm:s0], s1  }
0xd7: {  	s0 =	simm.s32 @!p0 $0x7  }
0xd8: {  	_ =	swait.ge @!p0 [sflag:s0], s1  }
0xd9: {  	s1 =	ssub.s32 @!p0 $0x0, s1;
	[sflag:s0] =	ssyncset.done @!p0 $0x0  }
0xda: {  	[sflag:s0] =	ssyncadd.s32 @!p0 s1  }
0xdb: {  	[bflag:$0x3] =	sbarrier.arrive $0xFFFF  }
0xdc: {  	_ =	shalt  }

</sc_bundles>
